<compile_context>
chip_gen: v7x
topology: tpu7x:2x2x1
jax: 0.10.2.dev20260603
libtpu: 0.0.44.dev20260713+nightly
codegen_flags: <defaults>
</compile_context>

<pallas_src>
import functools

import jax
import jax.numpy as jnp
from jax import lax
from jax.experimental import pallas as pl
from jax.experimental.pallas import tpu as pltpu
from jax.experimental.pallas import tpu_sc as plsc

_HIDDEN = 64
_BATCH = 16384
_NROWS = 1000001
_TCOLS = 7813
_RANGE = 245
_CCOLS = 5
_CLANES = _CCOLS * 128
_NCH = 49
_CMAX = _TCOLS - _CCOLS
_NPIECE = 4
_PIECE = _BATCH // _NPIECE
_STAGE_SLOTS = 128


def _embed_flat(labels, table_t):
    info = plsc.get_sparse_core_info()
    nw = info.num_cores * info.num_subcores
    mesh = plsc.VectorSubcoreMesh(core_axis_name="c", subcore_axis_name="s")
    iota16 = lambda: lax.iota(jnp.int32, 16)

    @functools.partial(
        pl.kernel,
        mesh=mesh,
        out_type=jax.ShapeDtypeStruct((_BATCH * _HIDDEN,), jnp.float32),
        scratch_types=[
            pltpu.VMEM((_PIECE,), jnp.int32),
            pltpu.VMEM((_BATCH + 16,), jnp.int32),
            pltpu.VMEM((_BATCH + 16,), jnp.int32),
            pltpu.VMEM((_HIDDEN, _CLANES), jnp.float32),
            pltpu.VMEM((_HIDDEN, _CLANES), jnp.float32),
            pltpu.VMEM((16,), jnp.int32),
            pltpu.VMEM((16,), jnp.int32),
            pltpu.VMEM((_STAGE_SLOTS * _HIDDEN,), jnp.float32),
            pltpu.VMEM((_HIDDEN,), jnp.float32),
            pltpu.SemaphoreType.DMA,
            pltpu.SemaphoreType.DMA,
            pltpu.SemaphoreType.DMA,
        ],
        compiler_params=pltpu.CompilerParams(
            use_tc_tiling_on_sc=True, needs_layout_passes=False
        ),
    )
    def emb(labels_hbm, table_t_hbm, out_hbm, piece_v, pos_l, lab_l,
            chunk0, chunk1, tmp_pos, tmp_lab, stage, drain_v,
            sem0, sem1, sem_out):
        wid = lax.axis_index("s") * info.num_cores + lax.axis_index("c")
        lo_col = wid * _RANGE
        hi_col = lo_col + _RANGE

        def chunk_start(c):
            return jnp.minimum(lo_col + c * _CCOLS, _CMAX) * 128

        pltpu.async_copy(table_t_hbm.at[:, pl.ds(chunk_start(0), _CLANES)],
                         chunk0, sem0)

        def piece_body(p, nloc):
            pltpu.sync_copy(labels_hbm.at[pl.ds(p * _PIECE, _PIECE)], piece_v)

            def scan_body(k, base):
                x = piece_v[pl.ds(k * 16, 16)]
                cb = lax.shift_right_logical(x, 7)
                mask = (cb >= lo_col) & (cb < hi_col)
                pos16 = p * _PIECE + k * 16 + iota16()
                plsc.store_compressed(pos_l.at[pl.ds(base, 16)], pos16,
                                      mask=mask)
                plsc.store_compressed(lab_l.at[pl.ds(base, 16)], x, mask=mask)
                n = jnp.max(plsc.all_reduce_population_count(mask))
                return base + n

            return pl.loop(0, _PIECE // 16, init_carry=nloc)(scan_body)

        nloc = pl.loop(0, _NPIECE, init_carry=jnp.int32(0))(piece_body)
        niter = lax.div(nloc + 15, jnp.int32(16))

        def drain_out(cnt):
            def wait_one(_):
                pltpu.make_async_copy(out_hbm.at[pl.ds(0, _HIDDEN)], drain_v,
                                      sem_out).wait()
            pl.loop(0, cnt)(wait_one)

        def chunk_body(c):
            parity = lax.rem(c, jnp.int32(2))

            @pl.when(c + 1 < _NCH)
            def _prefetch():
                nxt = chunk_start(c + 1)

                @pl.when(parity == 0)
                def _():
                    pltpu.async_copy(
                        table_t_hbm.at[:, pl.ds(nxt, _CLANES)], chunk1, sem1)

                @pl.when(parity == 1)
                def _():
                    pltpu.async_copy(
                        table_t_hbm.at[:, pl.ds(nxt, _CLANES)], chunk0, sem0)

            cc0 = chunk_start(c)

            def process(chunk, sem_cur):
                pltpu.make_async_copy(
                    table_t_hbm.at[:, pl.ds(cc0, _CLANES)], chunk,
                    sem_cur).wait()

                def scan_body(k, cnt):
                    x = lab_l[pl.ds(k * 16, 16)]
                    pos16 = pos_l[pl.ds(k * 16, 16)]
                    cb = lax.shift_right_logical(x, 7)
                    valid = (k * 16 + iota16()) < nloc
                    inw = (cb >= lax.shift_right_logical(cc0, 7)) \
                        & (cb < lax.shift_right_logical(cc0, 7) + _CCOLS) \
                        & valid
                    m = jnp.max(plsc.all_reduce_population_count(inw))

                    @pl.when(m > 0)
                    def _():
                        plsc.store_compressed(tmp_lab.at[pl.ds(0, 16)], x,
                                              mask=inw)
                        plsc.store_compressed(tmp_pos.at[pl.ds(0, 16)], pos16,
                                              mask=inw)

                    def label_body(j, cnt2):
                        lv = tmp_lab[pl.ds(0, 16)]
                        pv = tmp_pos[pl.ds(0, 16)]
                        sel = iota16() == j
                        l = jnp.max(jnp.where(sel, lv, 0))
                        i = jnp.max(jnp.where(sel, pv, 0))
                        p = l - cc0
                        psplat = jnp.full((16,), p, jnp.int32)

                        @pl.when(cnt2 >= _STAGE_SLOTS)
                        def _():
                            drain_out(jnp.int32(_STAGE_SLOTS))

                        cnt3 = lax.rem(cnt2, jnp.int32(_STAGE_SLOTS))
                        sbase = cnt3 * _HIDDEN
                        for kk in range(4):
                            fidx = iota16() + 16 * kk
                            col = plsc.load_gather(chunk, [fidx, psplat])
                            stage[pl.ds(sbase + 16 * kk, 16)] = col
                        pltpu.async_copy(
                            stage.at[pl.ds(sbase, _HIDDEN)],
                            out_hbm.at[pl.ds(i * _HIDDEN, _HIDDEN)], sem_out)
                        return cnt3 + 1

                    return pl.loop(0, m, init_carry=cnt)(label_body)

                cnt_end = pl.loop(0, niter, init_carry=jnp.int32(0))(scan_body)
                drain_out(cnt_end)

            @pl.when(parity == 0)
            def _():
                process(chunk0, sem0)

            @pl.when(parity == 1)
            def _():
                process(chunk1, sem1)

        pl.loop(0, _NCH)(chunk_body)

    return emb(labels, table_t)


def kernel(labels, table):
    out_flat = _embed_flat(labels.astype(jnp.int32), table.T)
    return out_flat.reshape(_BATCH, _HIDDEN)

# --- scband reference (transcript-rebuilt; emitter-appended) ---
"""Pipeline reference for scband-label-embedder-26628797235883 (READ-ONLY COPY).

The authoritative reference and input builder live on the scoring server;
editing this copy changes nothing except your own understanding.
"""

import jax, jax.numpy as jnp
import numpy as np

NUM_CLASSES = 1000000
HIDDEN_SIZE = 64
BATCH = 16384


def setup_inputs(seed: int = 0) -> dict:
    key = jax.random.key(seed)
    k_lab, k_tab = jax.random.split(key)
    labels = jax.random.randint(k_lab, (BATCH,), 0, NUM_CLASSES, dtype=jnp.int64 if jax.config.read('jax_enable_x64') else jnp.int32)
    # embedding table has num_classes + 1 rows (extra row for null/CFG class)
    table = jax.random.normal(k_tab, (NUM_CLASSES + 1, HIDDEN_SIZE), dtype=jnp.float32)
    return {"labels": labels, "table": table}


def reference(labels, table):
    # nn.Embedding forward: row gather from the embedding table
    return jnp.take(table, labels, axis=0)

if __name__ == "__main__":
    import jax
    _d = setup_inputs()
    print(jax.jit(kernel)(*tuple(_d.values())))

</pallas_src>

<mosaic_0001>
#map = affine_map<(d0, d1) -> (0)>
#map1 = affine_map<(d0, d1) -> (0, 0)>
module attributes {stable_mosaic.version = 14 : i64} {
  func.func @emb(%arg0: i32, %arg1: i32, %arg2: memref<16384xi32, #tpu.memory_space<hbm>>, %arg3: memref<64x1000001xf32, #tpu.memory_space<hbm>>, %arg4: memref<1048576xf32, #tpu.memory_space<hbm>>, %arg5: memref<4096xi32, #tpu.memory_space<vmem>>, %arg6: memref<16400xi32, #tpu.memory_space<vmem>>, %arg7: memref<16400xi32, #tpu.memory_space<vmem>>, %arg8: memref<64x640xf32, #tpu.memory_space<vmem>>, %arg9: memref<64x640xf32, #tpu.memory_space<vmem>>, %arg10: memref<16xi32, #tpu.memory_space<vmem>>, %arg11: memref<16xi32, #tpu.memory_space<vmem>>, %arg12: memref<8192xf32, #tpu.memory_space<vmem>>, %arg13: memref<64xf32, #tpu.memory_space<vmem>>, %arg14: memref<!tpu.dma_semaphore, #tpu.memory_space<semaphore_mem>>, %arg15: memref<!tpu.dma_semaphore, #tpu.memory_space<semaphore_mem>>, %arg16: memref<!tpu.dma_semaphore, #tpu.memory_space<semaphore_mem>>) attributes {dimension_semantics = [#tpu.dimension_semantics<core_parallel>, #tpu.dimension_semantics<subcore_parallel>], iteration_bounds = array<i64: 2, 16>, scalar_prefetch = 0 : i64, scratch_operands = 12 : i64, tpu.core_type = #tpu.core_type<sc_vector_subcore>, window_params = [{transform_indices = #map}, {transform_indices = #map1}, {transform_indices = #map}]} {
    %mul3A = arith.constant 2 : i32
    %mul3A_0 = arith.muli %arg1, %mul3A : i32
    %add3A = arith.addi %mul3A_0, %arg0 : i32
    %mul3A_1 = arith.constant 245 : i32
    %mul3A_2 = arith.muli %add3A, %mul3A_1 : i32
    %add3A_3 = arith.constant 245 : i32
    %add3A_4 = arith.addi %mul3A_2, %add3A_3 : i32
    %add3A_5 = arith.constant 0 : i32
    %add3A_6 = arith.addi %mul3A_2, %add3A_5 : i32
    %min3A = arith.constant 7808 : i32
    %min3A_7 = arith.minsi %add3A_6, %min3A : i32
    %mul3A_8 = arith.constant 128 : i32
    %mul3A_9 = arith.muli %min3A_7, %mul3A_8 : i32
    %dma_start3A = arith.constant 0 : i32
    %dma_start3A_10 = tpu.memref_slice %arg3[%dma_start3A, %mul3A_9] : memref<64x1000001xf32, #tpu.memory_space<hbm>> -> memref<64x640xf32, #tpu.memory_space<hbm>>
    %dma_start3A_11 = arith.constant 0 : i32
    %dma_start3A_12 = tpu.memref_slice %arg3[%dma_start3A_11, %mul3A_9] : memref<64x1000001xf32, #tpu.memory_space<hbm>> -> memref<64x640xf32, #tpu.memory_space<hbm>>
    tpu.enqueue_dma source(%dma_start3A_12 : memref<64x640xf32, #tpu.memory_space<hbm>>) target(%arg8 : memref<64x640xf32, #tpu.memory_space<vmem>>) target_semaphore(%arg14 : memref<!tpu.dma_semaphore, #tpu.memory_space<semaphore_mem>>)
    %scan3A = arith.constant 0 : i32
    %scan3A_13 = arith.constant 0 : i32
    %scan3A_14 = arith.constant 4 : i32
    %scan3A_15 = arith.addi %scan3A_13, %scan3A_14 : i32
    %scan3A_16 = arith.constant 1 : i32
    %scan3A_17 = scf.for %scan3A_27 = %scan3A_13 to %scan3A_15 step %scan3A_16 iter_args(%scan3A_28 = %scan3A) -> (i32)  : i32 {
      %mul3A_29 = arith.constant 1 : i32
      %mul3A_30 = arith.muli %scan3A_27, %mul3A_29 : i32
      %add3A_31 = arith.constant 0 : i32
      %add3A_32 = arith.addi %add3A_31, %mul3A_30 : i32
      %mul3A_33 = arith.constant 4096 : i32
      %mul3A_34 = arith.muli %add3A_32, %mul3A_33 : i32
      "tpu.region"() ({
        %run_scoped3A = tpu.sem_alloc : memref<!tpu.dma_semaphore, #tpu.memory_space<semaphore_mem>>
        %dma_start3A_41 = tpu.memref_slice %arg2[%mul3A_34] : memref<16384xi32, #tpu.memory_space<hbm>> -> memref<4096xi32, #tpu.memory_space<hbm>>
        %dma_start3A_42 = tpu.memref_slice %arg2[%mul3A_34] : memref<16384xi32, #tpu.memory_space<hbm>> -> memref<4096xi32, #tpu.memory_space<hbm>>
        tpu.enqueue_dma source(%dma_start3A_42 : memref<4096xi32, #tpu.memory_space<hbm>>) target(%arg5 : memref<4096xi32, #tpu.memory_space<vmem>>) target_semaphore(%run_scoped3A : memref<!tpu.dma_semaphore, #tpu.memory_space<semaphore_mem>>)
        %dma_wait3A = tpu.memref_slice %arg2[%mul3A_34] : memref<16384xi32, #tpu.memory_space<hbm>> -> memref<4096xi32, #tpu.memory_space<hbm>>
        %dma_wait3A_43 = tpu.memref_slice %arg2[%mul3A_34] : memref<16384xi32, #tpu.memory_space<hbm>> -> memref<4096xi32, #tpu.memory_space<hbm>>
        tpu.wait_dma2 semaphore(%run_scoped3A : memref<!tpu.dma_semaphore, #tpu.memory_space<semaphore_mem>>) src(%dma_wait3A_43 : memref<4096xi32, #tpu.memory_space<hbm>>) dst(%arg5 : memref<4096xi32, #tpu.memory_space<vmem>>)
        tpu.yield
      }) : () -> ()
      %scan3A_35 = arith.constant 0 : i32
      %scan3A_36 = arith.constant 256 : i32
      %scan3A_37 = arith.addi %scan3A_35, %scan3A_36 : i32
      %scan3A_38 = arith.constant 1 : i32
      %scan3A_39 = scf.for %scan3A_41 = %scan3A_35 to %scan3A_37 step %scan3A_38 iter_args(%scan3A_42 = %scan3A_28) -> (i32)  : i32 {
        %mul3A_43 = arith.constant 1 : i32
        %mul3A_44 = arith.muli %scan3A_41, %mul3A_43 : i32
        %add3A_45 = arith.constant 0 : i32
        %add3A_46 = arith.addi %add3A_45, %mul3A_44 : i32
        %mul3A_47 = arith.constant 16 : i32
        %mul3A_48 = arith.muli %add3A_46, %mul3A_47 : i32
        %get3A = arith.index_cast %mul3A_48 : i32 to index
        %get3A_49 = tpu.vector_load %arg5[%get3A] {strides = array<i32>} : memref<4096xi32, #tpu.memory_space<vmem>>, vector<16xi32>,
        %shift_right_logical3A = arith.constant 7 : i32
        %shift_right_logical3A_50 = vector.broadcast %shift_right_logical3A : i32 to vector<16xi32>
        %shift_right_logical3A_51 = arith.shrui %get3A_49, %shift_right_logical3A_50 : vector<16xi32>
        %ge3A = vector.broadcast %mul3A_2 : i32 to vector<16xi32>
        %ge3A_52 = arith.cmpi sge, %shift_right_logical3A_51, %ge3A : vector<16xi32>
        %lt3A = vector.broadcast %add3A_4 : i32 to vector<16xi32>
        %lt3A_53 = arith.cmpi slt, %shift_right_logical3A_51, %lt3A : vector<16xi32>
        %and3A = arith.andi %ge3A_52, %lt3A_53 : vector<16xi1>
        %mul3A_54 = arith.constant 4096 : i32
        %mul3A_55 = arith.muli %add3A_32, %mul3A_54 : i32
        %mul3A_56 = arith.constant 16 : i32
        %mul3A_57 = arith.muli %add3A_46, %mul3A_56 : i32
        %add3A_58 = arith.addi %mul3A_55, %mul3A_57 : i32
        %iota3A = tpu.iota {dimensions = array<i32: 0>} : vector<16xi32>
        %add3A_59 = vector.broadcast %add3A_58 : i32 to vector<16xi32>
        %add3A_60 = arith.addi %add3A_59, %iota3A : vector<16xi32>
        %swap3A = arith.index_cast %scan3A_42 : i32 to index
        %swap3A_61 = tpu.vector_load %arg6[%swap3A] masked %and3A {strides = array<i32>} : memref<16400xi32, #tpu.memory_space<vmem>>, vector<16xi32>, vector<16xi1>
        tpu.vector_store %arg6[%swap3A], %add3A_60 masked %and3A {strides = array<i32>} : memref<16400xi32, #tpu.memory_space<vmem>>, vector<16xi32>, vector<16xi1>
        %swap3A_62 = arith.index_cast %scan3A_42 : i32 to index
        %swap3A_63 = tpu.vector_load %arg7[%swap3A_62] masked %and3A {strides = array<i32>} : memref<16400xi32, #tpu.memory_space<vmem>>, vector<16xi32>, vector<16xi1>
        tpu.vector_store %arg7[%swap3A_62], %get3A_49 masked %and3A {strides = array<i32>} : memref<16400xi32, #tpu.memory_space<vmem>>, vector<16xi32>, vector<16xi1>
        %all_reduce_population_count3A = tpu.all_reduce %and3A {dim = 0 : i64, kind = #tpu.reduction_kind<sum>} : vector<16xi1> -> vector<16xi32>
        %reduce_max3A = arith.constant true
        %reduce_max3A_64 = vector.broadcast %reduce_max3A : i1 to vector<16xi1>
        %reduce_max3A_65 = arith.constant -2147483648 : i32
        %reduce_max3A_66 = vector.broadcast %reduce_max3A_65 : i32 to vector<16xi32>
        %reduce_max3A_67 = arith.xori %all_reduce_population_count3A, %reduce_max3A_66 : vector<16xi32>
        %reduce_max3A_68 = tpu.scan <max>, %reduce_max3A_67 masked %reduce_max3A_64 : vector<16xi32>, vector<16xi1> -> vector<16xi32>
        %reduce_max3A_69 = arith.xori %reduce_max3A_68, %reduce_max3A_66 : vector<16xi32>
        %reduce_max3A_70 = vector.extract %reduce_max3A_69[15] : i32 from vector<16xi32>
        %add3A_71 = arith.addi %scan3A_42, %reduce_max3A_70 : i32
        scf.yield %add3A_71 : i32
      }
      %scan3A_40 = arith.constant 256 : i32
      scf.yield %scan3A_39 : i32
    }
    %scan3A_18 = arith.constant 4 : i32
    %add3A_19 = arith.constant 15 : i32
    %add3A_20 = arith.addi %scan3A_17, %add3A_19 : i32
    %div3A = arith.constant 16 : i32
    %div3A_21 = arith.divsi %add3A_20, %div3A : i32
    %scan3A_22 = arith.constant 0 : i32
    %scan3A_23 = arith.constant 49 : i32
    %scan3A_24 = arith.addi %scan3A_22, %scan3A_23 : i32
    %scan3A_25 = arith.constant 1 : i32
    scf.for %scan3A_27 = %scan3A_22 to %scan3A_24 step %scan3A_25  : i32 {
      %mul3A_28 = arith.constant 1 : i32
      %mul3A_29 = arith.muli %scan3A_27, %mul3A_28 : i32
      %add3A_30 = arith.constant 0 : i32
      %add3A_31 = arith.addi %add3A_30, %mul3A_29 : i32
      %rem3A = arith.constant 2 : i32
      %rem3A_32 = arith.remsi %add3A_31, %rem3A : i32
      %add3A_33 = arith.constant 1 : i32
      %add3A_34 = arith.addi %add3A_31, %add3A_33 : i32
      %lt3A = arith.constant 49 : i32
      %lt3A_35 = arith.cmpi slt, %add3A_34, %lt3A : i32
      %convert_element_type3A = arith.extui %lt3A_35 : i1 to i32
      %cond3A = arith.constant 0 : i32
      %cond3A_36 = arith.cmpi ne, %convert_element_type3A, %cond3A : i32
      scf.if %cond3A_36 {
        %add3A_53 = arith.constant 1 : i32
        %add3A_54 = arith.addi %add3A_31, %add3A_53 : i32
        %mul3A_55 = arith.constant 5 : i32
        %mul3A_56 = arith.muli %add3A_54, %mul3A_55 : i32
        %add3A_57 = arith.addi %mul3A_2, %mul3A_56 : i32
        %min3A_58 = arith.constant 7808 : i32
        %min3A_59 = arith.minsi %add3A_57, %min3A_58 : i32
        %mul3A_60 = arith.constant 128 : i32
        %mul3A_61 = arith.muli %min3A_59, %mul3A_60 : i32
        %eq3A_62 = arith.constant 0 : i32
        %eq3A_63 = arith.cmpi eq, %rem3A_32, %eq3A_62 : i32
        %convert_element_type3A_64 = arith.extui %eq3A_63 : i1 to i32
        %cond3A_65 = arith.constant 0 : i32
        %cond3A_66 = arith.cmpi ne, %convert_element_type3A_64, %cond3A_65 : i32
        scf.if %cond3A_66 {
          %dma_start3A_72 = arith.constant 0 : i32
          %dma_start3A_73 = tpu.memref_slice %arg3[%dma_start3A_72, %mul3A_61] : memref<64x1000001xf32, #tpu.memory_space<hbm>> -> memref<64x640xf32, #tpu.memory_space<hbm>>
          %dma_start3A_74 = arith.constant 0 : i32
          %dma_start3A_75 = tpu.memref_slice %arg3[%dma_start3A_74, %mul3A_61] : memref<64x1000001xf32, #tpu.memory_space<hbm>> -> memref<64x640xf32, #tpu.memory_space<hbm>>
          tpu.enqueue_dma source(%dma_start3A_75 : memref<64x640xf32, #tpu.memory_space<hbm>>) target(%arg9 : memref<64x640xf32, #tpu.memory_space<vmem>>) target_semaphore(%arg15 : memref<!tpu.dma_semaphore, #tpu.memory_space<semaphore_mem>>)
        } else {
        }
        %eq3A_67 = arith.constant 1 : i32
        %eq3A_68 = arith.cmpi eq, %rem3A_32, %eq3A_67 : i32
        %convert_element_type3A_69 = arith.extui %eq3A_68 : i1 to i32
        %cond3A_70 = arith.constant 0 : i32
        %cond3A_71 = arith.cmpi ne, %convert_element_type3A_69, %cond3A_70 : i32
        scf.if %cond3A_71 {
          %dma_start3A_72 = arith.constant 0 : i32
          %dma_start3A_73 = tpu.memref_slice %arg3[%dma_start3A_72, %mul3A_61] : memref<64x1000001xf32, #tpu.memory_space<hbm>> -> memref<64x640xf32, #tpu.memory_space<hbm>>
          %dma_start3A_74 = arith.constant 0 : i32
          %dma_start3A_75 = tpu.memref_slice %arg3[%dma_start3A_74, %mul3A_61] : memref<64x1000001xf32, #tpu.memory_space<hbm>> -> memref<64x640xf32, #tpu.memory_space<hbm>>
          tpu.enqueue_dma source(%dma_start3A_75 : memref<64x640xf32, #tpu.memory_space<hbm>>) target(%arg8 : memref<64x640xf32, #tpu.memory_space<vmem>>) target_semaphore(%arg14 : memref<!tpu.dma_semaphore, #tpu.memory_space<semaphore_mem>>)
        } else {
        }
      } else {
      }
      %mul3A_37 = arith.constant 5 : i32
      %mul3A_38 = arith.muli %add3A_31, %mul3A_37 : i32
      %add3A_39 = arith.addi %mul3A_2, %mul3A_38 : i32
      %min3A_40 = arith.constant 7808 : i32
      %min3A_41 = arith.minsi %add3A_39, %min3A_40 : i32
      %mul3A_42 = arith.constant 128 : i32
      %mul3A_43 = arith.muli %min3A_41, %mul3A_42 : i32
      %eq3A = arith.constant 0 : i32
      %eq3A_44 = arith.cmpi eq, %rem3A_32, %eq3A : i32
      %convert_element_type3A_45 = arith.extui %eq3A_44 : i1 to i32
      %cond3A_46 = arith.constant 0 : i32
      %cond3A_47 = arith.cmpi ne, %convert_element_type3A_45, %cond3A_46 : i32
      scf.if %cond3A_47 {
        %dma_wait3A = arith.constant 0 : i32
        %dma_wait3A_53 = tpu.memref_slice %arg3[%dma_wait3A, %mul3A_43] : memref<64x1000001xf32, #tpu.memory_space<hbm>> -> memref<64x640xf32, #tpu.memory_space<hbm>>
        %dma_wait3A_54 = arith.constant 0 : i32
        %dma_wait3A_55 = tpu.memref_slice %arg3[%dma_wait3A_54, %mul3A_43] : memref<64x1000001xf32, #tpu.memory_space<hbm>> -> memref<64x640xf32, #tpu.memory_space<hbm>>
        tpu.wait_dma2 semaphore(%arg14 : memref<!tpu.dma_semaphore, #tpu.memory_space<semaphore_mem>>) src(%dma_wait3A_55 : memref<64x640xf32, #tpu.memory_space<hbm>>) dst(%arg8 : memref<64x640xf32, #tpu.memory_space<vmem>>)
        %sub3A = arith.constant 0 : i32
        %sub3A_56 = arith.subi %div3A_21, %sub3A : i32
        %sub3A_57 = arith.constant 1 : i32
        %sub3A_58 = arith.constant 1 : i32
        %sub3A_59 = arith.subi %sub3A_57, %sub3A_58 : i32
        %add3A_60 = arith.addi %sub3A_56, %sub3A_59 : i32
        %div3A_61 = arith.constant 1 : i32
        %div3A_62 = arith.divsi %add3A_60, %div3A_61 : i32
        %while3A = arith.constant 1 : i32
        %while3A_63 = arith.constant 0 : i32
        %while3A_64 = arith.constant 0 : i32
        %while3A_65 = arith.constant 0 : i32
        %while3A_66 = arith.subi %div3A_62, %while3A_64 : i32
        %while3A_67 = arith.addi %while3A_64, %while3A_66 : i32
        %while3A_68 = arith.constant 1 : i32
        %while3A_69 = arith.divsi %while3A_66, %while3A_68 : i32
        %while3A_70 = arith.muli %while3A_69, %while3A_68 : i32
        %while3A_71 = arith.addi %while3A_64, %while3A_70 : i32
        %while3A_72 = arith.constant 1 : i32
        %while3A_73 = scf.for %while3A_95 = %while3A_64 to %while3A_71 step %while3A_72 iter_args(%while3A_96 = %while3A_65) -> (i32)  : i32 {
          %mul3A_97 = arith.muli %while3A_95, %while3A : i32
          %add3A_98 = arith.addi %while3A_63, %mul3A_97 : i32
          %mul3A_99 = arith.constant 16 : i32
          %mul3A_100 = arith.muli %add3A_98, %mul3A_99 : i32
          %get3A = arith.index_cast %mul3A_100 : i32 to index
          %get3A_101 = tpu.vector_load %arg7[%get3A] {strides = array<i32>} : memref<16400xi32, #tpu.memory_space<vmem>>, vector<16xi32>,
          %mul3A_102 = arith.constant 16 : i32
          %mul3A_103 = arith.muli %add3A_98, %mul3A_102 : i32
          %get3A_104 = arith.index_cast %mul3A_103 : i32 to index
          %get3A_105 = tpu.vector_load %arg6[%get3A_104] {strides = array<i32>} : memref<16400xi32, #tpu.memory_space<vmem>>, vector<16xi32>,
          %shift_right_logical3A = arith.constant 7 : i32
          %shift_right_logical3A_106 = vector.broadcast %shift_right_logical3A : i32 to vector<16xi32>
          %shift_right_logical3A_107 = arith.shrui %get3A_101, %shift_right_logical3A_106 : vector<16xi32>
          %mul3A_108 = arith.constant 16 : i32
          %mul3A_109 = arith.muli %add3A_98, %mul3A_108 : i32
          %iota3A = tpu.iota {dimensions = array<i32: 0>} : vector<16xi32>
          %add3A_110 = vector.broadcast %mul3A_109 : i32 to vector<16xi32>
          %add3A_111 = arith.addi %add3A_110, %iota3A : vector<16xi32>
          %lt3A_112 = vector.broadcast %scan3A_17 : i32 to vector<16xi32>
          %lt3A_113 = arith.cmpi slt, %add3A_111, %lt3A_112 : vector<16xi32>
          %shift_right_logical3A_114 = arith.constant 7 : i32
          %shift_right_logical3A_115 = arith.shrui %mul3A_43, %shift_right_logical3A_114 : i32
          %ge3A = vector.broadcast %shift_right_logical3A_115 : i32 to vector<16xi32>
          %ge3A_116 = arith.cmpi sge, %shift_right_logical3A_107, %ge3A : vector<16xi32>
          %shift_right_logical3A_117 = arith.constant 7 : i32
          %shift_right_logical3A_118 = arith.shrui %mul3A_43, %shift_right_logical3A_117 : i32
          %add3A_119 = arith.constant 5 : i32
          %add3A_120 = arith.addi %shift_right_logical3A_118, %add3A_119 : i32
          %lt3A_121 = vector.broadcast %add3A_120 : i32 to vector<16xi32>
          %lt3A_122 = arith.cmpi slt, %shift_right_logical3A_107, %lt3A_121 : vector<16xi32>
          %and3A = arith.andi %ge3A_116, %lt3A_122 : vector<16xi1>
          %and3A_123 = arith.andi %and3A, %lt3A_113 : vector<16xi1>
          %all_reduce_population_count3A = tpu.all_reduce %and3A_123 {dim = 0 : i64, kind = #tpu.reduction_kind<sum>} : vector<16xi1> -> vector<16xi32>
          %reduce_max3A = arith.constant true
          %reduce_max3A_124 = vector.broadcast %reduce_max3A : i1 to vector<16xi1>
          %reduce_max3A_125 = arith.constant -2147483648 : i32
          %reduce_max3A_126 = vector.broadcast %reduce_max3A_125 : i32 to vector<16xi32>
          %reduce_max3A_127 = arith.xori %all_reduce_population_count3A, %reduce_max3A_126 : vector<16xi32>
          %reduce_max3A_128 = tpu.scan <max>, %reduce_max3A_127 masked %reduce_max3A_124 : vector<16xi32>, vector<16xi1> -> vector<16xi32>
          %reduce_max3A_129 = arith.xori %reduce_max3A_128, %reduce_max3A_126 : vector<16xi32>
          %reduce_max3A_130 = vector.extract %reduce_max3A_129[15] : i32 from vector<16xi32>
          %gt3A = arith.constant 0 : i32
          %gt3A_131 = arith.cmpi sgt, %reduce_max3A_130, %gt3A : i32
          %convert_element_type3A_132 = arith.extui %gt3A_131 : i1 to i32
          %cond3A_133 = arith.constant 0 : i32
          %cond3A_134 = arith.cmpi ne, %convert_element_type3A_132, %cond3A_133 : i32
          scf.if %cond3A_134 {
            %swap3A = arith.constant 0 : index
            %swap3A_156 = tpu.vector_load %arg11[%swap3A] masked %and3A_123 {strides = array<i32>} : memref<16xi32, #tpu.memory_space<vmem>>, vector<16xi32>, vector<16xi1>
            tpu.vector_store %arg11[%swap3A], %get3A_101 masked %and3A_123 {strides = array<i32>} : memref<16xi32, #tpu.memory_space<vmem>>, vector<16xi32>, vector<16xi1>
            %swap3A_157 = arith.constant 0 : index
            %swap3A_158 = tpu.vector_load %arg10[%swap3A_157] masked %and3A_123 {strides = array<i32>} : memref<16xi32, #tpu.memory_space<vmem>>, vector<16xi32>, vector<16xi1>
            tpu.vector_store %arg10[%swap3A_157], %get3A_105 masked %and3A_123 {strides = array<i32>} : memref<16xi32, #tpu.memory_space<vmem>>, vector<16xi32>, vector<16xi1>
          } else {
          }
          %sub3A_135 = arith.constant 0 : i32
          %sub3A_136 = arith.subi %reduce_max3A_130, %sub3A_135 : i32
          %sub3A_137 = arith.constant 1 : i32
          %sub3A_138 = arith.constant 1 : i32
          %sub3A_139 = arith.subi %sub3A_137, %sub3A_138 : i32
          %add3A_140 = arith.addi %sub3A_136, %sub3A_139 : i32
          %div3A_141 = arith.constant 1 : i32
          %div3A_142 = arith.divsi %add3A_140, %div3A_141 : i32
          %while3A_143 = arith.constant 1 : i32
          %while3A_144 = arith.constant 0 : i32
          %while3A_145 = arith.constant 0 : i32
          %while3A_146 = arith.subi %div3A_142, %while3A_145 : i32
          %while3A_147 = arith.addi %while3A_145, %while3A_146 : i32
          %while3A_148 = arith.constant 1 : i32
          %while3A_149 = arith.divsi %while3A_146, %while3A_148 : i32
          %while3A_150 = arith.muli %while3A_149, %while3A_148 : i32
          %while3A_151 = arith.addi %while3A_145, %while3A_150 : i32
          %while3A_152 = arith.constant 1 : i32
          %while3A_153 = scf.for %while3A_156 = %while3A_145 to %while3A_151 step %while3A_152 iter_args(%while3A_157 = %while3A_96) -> (i32)  : i32 {
            %mul3A_158 = arith.muli %while3A_156, %while3A_143 : i32
            %add3A_159 = arith.addi %while3A_144, %mul3A_158 : i32
            %get3A_160 = arith.constant 0 : index
            %get3A_161 = tpu.vector_load %arg11[%get3A_160] {strides = array<i32>} : memref<16xi32, #tpu.memory_space<vmem>>, vector<16xi32>,
            %get3A_162 = arith.constant 0 : index
            %get3A_163 = tpu.vector_load %arg10[%get3A_162] {strides = array<i32>} : memref<16xi32, #tpu.memory_space<vmem>>, vector<16xi32>,
            %iota3A_164 = tpu.iota {dimensions = array<i32: 0>} : vector<16xi32>
            %eq3A_165 = vector.broadcast %add3A_159 : i32 to vector<16xi32>
            %eq3A_166 = arith.cmpi eq, %iota3A_164, %eq3A_165 : vector<16xi32>
            %jit3A = arith.constant 0 : i32
            %broadcast_in_dim3A = vector.broadcast %jit3A : i32 to vector<16xi32>
            %select_n3A = arith.select %eq3A_166, %get3A_161, %broadcast_in_dim3A : vector<16xi1>, vector<16xi32>
            %reduce_max3A_167 = arith.constant true
            %reduce_max3A_168 = vector.broadcast %reduce_max3A_167 : i1 to vector<16xi1>
            %reduce_max3A_169 = arith.constant -2147483648 : i32
            %reduce_max3A_170 = vector.broadcast %reduce_max3A_169 : i32 to vector<16xi32>
            %reduce_max3A_171 = arith.xori %select_n3A, %reduce_max3A_170 : vector<16xi32>
            %reduce_max3A_172 = tpu.scan <max>, %reduce_max3A_171 masked %reduce_max3A_168 : vector<16xi32>, vector<16xi1> -> vector<16xi32>
            %reduce_max3A_173 = arith.xori %reduce_max3A_172, %reduce_max3A_170 : vector<16xi32>
            %reduce_max3A_174 = vector.extract %reduce_max3A_173[15] : i32 from vector<16xi32>
            %jit3A_175 = arith.constant 0 : i32
            %broadcast_in_dim3A_176 = vector.broadcast %jit3A_175 : i32 to vector<16xi32>
            %select_n3A_177 = arith.select %eq3A_166, %get3A_163, %broadcast_in_dim3A_176 : vector<16xi1>, vector<16xi32>
            %reduce_max3A_178 = arith.constant true
            %reduce_max3A_179 = vector.broadcast %reduce_max3A_178 : i1 to vector<16xi1>
            %reduce_max3A_180 = arith.constant -2147483648 : i32
            %reduce_max3A_181 = vector.broadcast %reduce_max3A_180 : i32 to vector<16xi32>
            %reduce_max3A_182 = arith.xori %select_n3A_177, %reduce_max3A_181 : vector<16xi32>
            %reduce_max3A_183 = tpu.scan <max>, %reduce_max3A_182 masked %reduce_max3A_179 : vector<16xi32>, vector<16xi1> -> vector<16xi32>
            %reduce_max3A_184 = arith.xori %reduce_max3A_183, %reduce_max3A_181 : vector<16xi32>
            %reduce_max3A_185 = vector.extract %reduce_max3A_184[15] : i32 from vector<16xi32>
            %sub3A_186 = arith.subi %reduce_max3A_174, %mul3A_43 : i32
            %broadcast_in_dim3A_187 = vector.broadcast %sub3A_186 : i32 to vector<16xi32>
            %ge3A_188 = arith.constant 128 : i32
            %ge3A_189 = arith.cmpi sge, %while3A_157, %ge3A_188 : i32
            %convert_element_type3A_190 = arith.extui %ge3A_189 : i1 to i32
            %cond3A_191 = arith.constant 0 : i32
            %cond3A_192 = arith.cmpi ne, %convert_element_type3A_190, %cond3A_191 : i32
            scf.if %cond3A_192 {
              %sub3A_239 = arith.constant 128 : i32
              %sub3A_240 = arith.constant 0 : i32
              %sub3A_241 = arith.subi %sub3A_239, %sub3A_240 : i32
              %sub3A_242 = arith.constant 1 : i32
              %sub3A_243 = arith.constant 1 : i32
              %sub3A_244 = arith.subi %sub3A_242, %sub3A_243 : i32
              %add3A_245 = arith.addi %sub3A_241, %sub3A_244 : i32
              %div3A_246 = arith.constant 1 : i32
              %div3A_247 = arith.divsi %add3A_245, %div3A_246 : i32
              %while3A_248 = arith.constant 1 : i32
              %while3A_249 = arith.constant 0 : i32
              %while3A_250 = arith.constant 0 : i32
              %while3A_251 = arith.subi %div3A_247, %while3A_250 : i32
              %while3A_252 = arith.addi %while3A_250, %while3A_251 : i32
              %while3A_253 = arith.constant 1 : i32
              %while3A_254 = arith.divsi %while3A_251, %while3A_253 : i32
              %while3A_255 = arith.muli %while3A_254, %while3A_253 : i32
              %while3A_256 = arith.addi %while3A_250, %while3A_255 : i32
              %while3A_257 = arith.constant 1 : i32
              scf.for %while3A_259 = %while3A_250 to %while3A_256 step %while3A_257  : i32 {
                %mul3A_260 = arith.muli %while3A_259, %while3A_248 : i32
                %add3A_261 = arith.addi %while3A_249, %mul3A_260 : i32
                %dma_wait3A_262 = arith.constant 0 : i32
                %dma_wait3A_263 = tpu.memref_slice %arg4[%dma_wait3A_262] : memref<1048576xf32, #tpu.memory_space<hbm>> -> memref<64xf32, #tpu.memory_space<hbm>>
                %dma_wait3A_264 = arith.constant 0 : i32
                %dma_wait3A_265 = tpu.memref_slice %arg4[%dma_wait3A_264] : memref<1048576xf32, #tpu.memory_space<hbm>> -> memref<64xf32, #tpu.memory_space<hbm>>
                tpu.wait_dma2 semaphore(%arg16 : memref<!tpu.dma_semaphore, #tpu.memory_space<semaphore_mem>>) src(%dma_wait3A_265 : memref<64xf32, #tpu.memory_space<hbm>>) dst(%arg13 : memref<64xf32, #tpu.memory_space<vmem>>)
              }
              %while3A_258 = arith.constant 1 : i32
              scf.for %while3A_259 = %while3A_256 to %while3A_252 step %while3A_258  : i32 {
                %mul3A_260 = arith.muli %while3A_259, %while3A_248 : i32
                %add3A_261 = arith.addi %while3A_249, %mul3A_260 : i32
                %dma_wait3A_262 = arith.constant 0 : i32
                %dma_wait3A_263 = tpu.memref_slice %arg4[%dma_wait3A_262] : memref<1048576xf32, #tpu.memory_space<hbm>> -> memref<64xf32, #tpu.memory_space<hbm>>
                %dma_wait3A_264 = arith.constant 0 : i32
                %dma_wait3A_265 = tpu.memref_slice %arg4[%dma_wait3A_264] : memref<1048576xf32, #tpu.memory_space<hbm>> -> memref<64xf32, #tpu.memory_space<hbm>>
                tpu.wait_dma2 semaphore(%arg16 : memref<!tpu.dma_semaphore, #tpu.memory_space<semaphore_mem>>) src(%dma_wait3A_265 : memref<64xf32, #tpu.memory_space<hbm>>) dst(%arg13 : memref<64xf32, #tpu.memory_space<vmem>>)
              }
            } else {
            }
            %rem3A_193 = arith.constant 128 : i32
            %rem3A_194 = arith.remsi %while3A_157, %rem3A_193 : i32
            %mul3A_195 = arith.constant 64 : i32
            %mul3A_196 = arith.muli %rem3A_194, %mul3A_195 : i32
            %iota3A_197 = tpu.iota {dimensions = array<i32: 0>} : vector<16xi32>
            %add3A_198 = arith.constant 0 : i32
            %add3A_199 = vector.broadcast %add3A_198 : i32 to vector<16xi32>
            %add3A_200 = arith.addi %iota3A_197, %add3A_199 : vector<16xi32>
            %gather3A = tpu.vector_load_idx %arg8[%add3A_200, %broadcast_in_dim3A_187] : memref<64x640xf32, #tpu.memory_space<vmem>>[vector<16xi32>, vector<16xi32>], vector<16xf32>,
            %add3A_201 = arith.constant 0 : i32
            %add3A_202 = arith.addi %mul3A_196, %add3A_201 : i32
            %swap3A = arith.index_cast %add3A_202 : i32 to index
            %swap3A_203 = tpu.vector_load %arg12[%swap3A] {strides = array<i32>} : memref<8192xf32, #tpu.memory_space<vmem>>, vector<16xf32>,
            tpu.vector_store %arg12[%swap3A], %gather3A {strides = array<i32>} : memref<8192xf32, #tpu.memory_space<vmem>>, vector<16xf32>,
            %iota3A_204 = tpu.iota {dimensions = array<i32: 0>} : vector<16xi32>
            %add3A_205 = arith.constant 16 : i32
            %add3A_206 = vector.broadcast %add3A_205 : i32 to vector<16xi32>
            %add3A_207 = arith.addi %iota3A_204, %add3A_206 : vector<16xi32>
            %gather3A_208 = tpu.vector_load_idx %arg8[%add3A_207, %broadcast_in_dim3A_187] : memref<64x640xf32, #tpu.memory_space<vmem>>[vector<16xi32>, vector<16xi32>], vector<16xf32>,
            %add3A_209 = arith.constant 16 : i32
            %add3A_210 = arith.addi %mul3A_196, %add3A_209 : i32
            %swap3A_211 = arith.index_cast %add3A_210 : i32 to index
            %swap3A_212 = tpu.vector_load %arg12[%swap3A_211] {strides = array<i32>} : memref<8192xf32, #tpu.memory_space<vmem>>, vector<16xf32>,
            tpu.vector_store %arg12[%swap3A_211], %gather3A_208 {strides = array<i32>} : memref<8192xf32, #tpu.memory_space<vmem>>, vector<16xf32>,
            %iota3A_213 = tpu.iota {dimensions = array<i32: 0>} : vector<16xi32>
            %add3A_214 = arith.constant 32 : i32
            %add3A_215 = vector.broadcast %add3A_214 : i32 to vector<16xi32>
            %add3A_216 = arith.addi %iota3A_213, %add3A_215 : vector<16xi32>
            %gather3A_217 = tpu.vector_load_idx %arg8[%add3A_216, %broadcast_in_dim3A_187] : memref<64x640xf32, #tpu.memory_space<vmem>>[vector<16xi32>, vector<16xi32>], vector<16xf32>,
            %add3A_218 = arith.constant 32 : i32
            %add3A_219 = arith.addi %mul3A_196, %add3A_218 : i32
            %swap3A_220 = arith.index_cast %add3A_219 : i32 to index
            %swap3A_221 = tpu.vector_load %arg12[%swap3A_220] {strides = array<i32>} : memref<8192xf32, #tpu.memory_space<vmem>>, vector<16xf32>,
            tpu.vector_store %arg12[%swap3A_220], %gather3A_217 {strides = array<i32>} : memref<8192xf32, #tpu.memory_space<vmem>>, vector<16xf32>,
            %iota3A_222 = tpu.iota {dimensions = array<i32: 0>} : vector<16xi32>
            %add3A_223 = arith.constant 48 : i32
            %add3A_224 = vector.broadcast %add3A_223 : i32 to vector<16xi32>
            %add3A_225 = arith.addi %iota3A_222, %add3A_224 : vector<16xi32>
            %gather3A_226 = tpu.vector_load_idx %arg8[%add3A_225, %broadcast_in_dim3A_187] : memref<64x640xf32, #tpu.memory_space<vmem>>[vector<16xi32>, vector<16xi32>], vector<16xf32>,
            %add3A_227 = arith.constant 48 : i32
            %add3A_228 = arith.addi %mul3A_196, %add3A_227 : i32
            %swap3A_229 = arith.index_cast %add3A_228 : i32 to index
            %swap3A_230 = tpu.vector_load %arg12[%swap3A_229] {strides = array<i32>} : memref<8192xf32, #tpu.memory_space<vmem>>, vector<16xf32>,
            tpu.vector_store %arg12[%swap3A_229], %gather3A_226 {strides = array<i32>} : memref<8192xf32, #tpu.memory_space<vmem>>, vector<16xf32>,
            %mul3A_231 = arith.constant 64 : i32
            %mul3A_232 = arith.muli %reduce_max3A_185, %mul3A_231 : i32
            %dma_start3A_233 = tpu.memref_slice %arg12[%mul3A_196] : memref<8192xf32, #tpu.memory_space<vmem>> -> memref<64xf32, #tpu.memory_space<vmem>>
            %dma_start3A_234 = tpu.memref_slice %arg4[%mul3A_232] : memref<1048576xf32, #tpu.memory_space<hbm>> -> memref<64xf32, #tpu.memory_space<hbm>>
            %dma_start3A_235 = tpu.memref_slice %arg4[%mul3A_232] : memref<1048576xf32, #tpu.memory_space<hbm>> -> memref<64xf32, #tpu.memory_space<hbm>>
            %dma_start3A_236 = tpu.memref_slice %arg12[%mul3A_196] : memref<8192xf32, #tpu.memory_space<vmem>> -> memref<64xf32, #tpu.memory_space<vmem>>
            tpu.enqueue_dma source(%dma_start3A_236 : memref<64xf32, #tpu.memory_space<vmem>>) target(%dma_start3A_235 : memref<64xf32, #tpu.memory_space<hbm>>) target_semaphore(%arg16 : memref<!tpu.dma_semaphore, #tpu.memory_space<semaphore_mem>>)
            %add3A_237 = arith.constant 1 : i32
            %add3A_238 = arith.addi %rem3A_194, %add3A_237 : i32
            scf.yield %add3A_238 : i32
          }
          %while3A_154 = arith.constant 1 : i32
          %while3A_155 = scf.for %while3A_156 = %while3A_151 to %while3A_147 step %while3A_154 iter_args(%while3A_157 = %while3A_153) -> (i32)  : i32 {
            %mul3A_158 = arith.muli %while3A_156, %while3A_143 : i32
            %add3A_159 = arith.addi %while3A_144, %mul3A_158 : i32
            %get3A_160 = arith.constant 0 : index
            %get3A_161 = tpu.vector_load %arg11[%get3A_160] {strides = array<i32>} : memref<16xi32, #tpu.memory_space<vmem>>, vector<16xi32>,
            %get3A_162 = arith.constant 0 : index
            %get3A_163 = tpu.vector_load %arg10[%get3A_162] {strides = array<i32>} : memref<16xi32, #tpu.memory_space<vmem>>, vector<16xi32>,
            %iota3A_164 = tpu.iota {dimensions = array<i32: 0>} : vector<16xi32>
            %eq3A_165 = vector.broadcast %add3A_159 : i32 to vector<16xi32>
            %eq3A_166 = arith.cmpi eq, %iota3A_164, %eq3A_165 : vector<16xi32>
            %jit3A = arith.constant 0 : i32
            %broadcast_in_dim3A = vector.broadcast %jit3A : i32 to vector<16xi32>
            %select_n3A = arith.select %eq3A_166, %get3A_161, %broadcast_in_dim3A : vector<16xi1>, vector<16xi32>
            %reduce_max3A_167 = arith.constant true
            %reduce_max3A_168 = vector.broadcast %reduce_max3A_167 : i1 to vector<16xi1>
            %reduce_max3A_169 = arith.constant -2147483648 : i32
            %reduce_max3A_170 = vector.broadcast %reduce_max3A_169 : i32 to vector<16xi32>
            %reduce_max3A_171 = arith.xori %select_n3A, %reduce_max3A_170 : vector<16xi32>
            %reduce_max3A_172 = tpu.scan <max>, %reduce_max3A_171 masked %reduce_max3A_168 : vector<16xi32>, vector<16xi1> -> vector<16xi32>
            %reduce_max3A_173 = arith.xori %reduce_max3A_172, %reduce_max3A_170 : vector<16xi32>
            %reduce_max3A_174 = vector.extract %reduce_max3A_173[15] : i32 from vector<16xi32>
            %jit3A_175 = arith.constant 0 : i32
            %broadcast_in_dim3A_176 = vector.broadcast %jit3A_175 : i32 to vector<16xi32>
            %select_n3A_177 = arith.select %eq3A_166, %get3A_163, %broadcast_in_dim3A_176 : vector<16xi1>, vector<16xi32>
            %reduce_max3A_178 = arith.constant true
            %reduce_max3A_179 = vector.broadcast %reduce_max3A_178 : i1 to vector<16xi1>
            %reduce_max3A_180 = arith.constant -2147483648 : i32
            %reduce_max3A_181 = vector.broadcast %reduce_max3A_180 : i32 to vector<16xi32>
            %reduce_max3A_182 = arith.xori %select_n3A_177, %reduce_max3A_181 : vector<16xi32>
            %reduce_max3A_183 = tpu.scan <max>, %reduce_max3A_182 masked %reduce_max3A_179 : vector<16xi32>, vector<16xi1> -> vector<16xi32>
            %reduce_max3A_184 = arith.xori %reduce_max3A_183, %reduce_max3A_181 : vector<16xi32>
            %reduce_max3A_185 = vector.extract %reduce_max3A_184[15] : i32 from vector<16xi32>
            %sub3A_186 = arith.subi %reduce_max3A_174, %mul3A_43 : i32
            %broadcast_in_dim3A_187 = vector.broadcast %sub3A_186 : i32 to vector<16xi32>
            %ge3A_188 = arith.constant 128 : i32
            %ge3A_189 = arith.cmpi sge, %while3A_157, %ge3A_188 : i32
            %convert_element_type3A_190 = arith.extui %ge3A_189 : i1 to i32
            %cond3A_191 = arith.constant 0 : i32
            %cond3A_192 = arith.cmpi ne, %convert_element_type3A_190, %cond3A_191 : i32
            scf.if %cond3A_192 {
              %sub3A_239 = arith.constant 128 : i32
              %sub3A_240 = arith.constant 0 : i32
              %sub3A_241 = arith.subi %sub3A_239, %sub3A_240 : i32
              %sub3A_242 = arith.constant 1 : i32
              %sub3A_243 = arith.constant 1 : i32
              %sub3A_244 = arith.subi %sub3A_242, %sub3A_243 : i32
              %add3A_245 = arith.addi %sub3A_241, %sub3A_244 : i32
              %div3A_246 = arith.constant 1 : i32
              %div3A_247 = arith.divsi %add3A_245, %div3A_246 : i32
              %while3A_248 = arith.constant 1 : i32
              %while3A_249 = arith.constant 0 : i32
              %while3A_250 = arith.constant 0 : i32
              %while3A_251 = arith.subi %div3A_247, %while3A_250 : i32
              %while3A_252 = arith.addi %while3A_250, %while3A_251 : i32
              %while3A_253 = arith.constant 1 : i32
              %while3A_254 = arith.divsi %while3A_251, %while3A_253 : i32
              %while3A_255 = arith.muli %while3A_254, %while3A_253 : i32
              %while3A_256 = arith.addi %while3A_250, %while3A_255 : i32
              %while3A_257 = arith.constant 1 : i32
              scf.for %while3A_259 = %while3A_250 to %while3A_256 step %while3A_257  : i32 {
                %mul3A_260 = arith.muli %while3A_259, %while3A_248 : i32
                %add3A_261 = arith.addi %while3A_249, %mul3A_260 : i32
                %dma_wait3A_262 = arith.constant 0 : i32
                %dma_wait3A_263 = tpu.memref_slice %arg4[%dma_wait3A_262] : memref<1048576xf32, #tpu.memory_space<hbm>> -> memref<64xf32, #tpu.memory_space<hbm>>
                %dma_wait3A_264 = arith.constant 0 : i32
                %dma_wait3A_265 = tpu.memref_slice %arg4[%dma_wait3A_264] : memref<1048576xf32, #tpu.memory_space<hbm>> -> memref<64xf32, #tpu.memory_space<hbm>>
                tpu.wait_dma2 semaphore(%arg16 : memref<!tpu.dma_semaphore, #tpu.memory_space<semaphore_mem>>) src(%dma_wait3A_265 : memref<64xf32, #tpu.memory_space<hbm>>) dst(%arg13 : memref<64xf32, #tpu.memory_space<vmem>>)
              }
              %while3A_258 = arith.constant 1 : i32
              scf.for %while3A_259 = %while3A_256 to %while3A_252 step %while3A_258  : i32 {
                %mul3A_260 = arith.muli %while3A_259, %while3A_248 : i32
                %add3A_261 = arith.addi %while3A_249, %mul3A_260 : i32
                %dma_wait3A_262 = arith.constant 0 : i32
                %dma_wait3A_263 = tpu.memref_slice %arg4[%dma_wait3A_262] : memref<1048576xf32, #tpu.memory_space<hbm>> -> memref<64xf32, #tpu.memory_space<hbm>>
                %dma_wait3A_264 = arith.constant 0 : i32
                %dma_wait3A_265 = tpu.memref_slice %arg4[%dma_wait3A_264] : memref<1048576xf32, #tpu.memory_space<hbm>> -> memref<64xf32, #tpu.memory_space<hbm>>
                tpu.wait_dma2 semaphore(%arg16 : memref<!tpu.dma_semaphore, #tpu.memory_space<semaphore_mem>>) src(%dma_wait3A_265 : memref<64xf32, #tpu.memory_space<hbm>>) dst(%arg13 : memref<64xf32, #tpu.memory_space<vmem>>)
              }
            } else {
            }
            %rem3A_193 = arith.constant 128 : i32
            %rem3A_194 = arith.remsi %while3A_157, %rem3A_193 : i32
            %mul3A_195 = arith.constant 64 : i32
            %mul3A_196 = arith.muli %rem3A_194, %mul3A_195 : i32
            %iota3A_197 = tpu.iota {dimensions = array<i32: 0>} : vector<16xi32>
            %add3A_198 = arith.constant 0 : i32
            %add3A_199 = vector.broadcast %add3A_198 : i32 to vector<16xi32>
            %add3A_200 = arith.addi %iota3A_197, %add3A_199 : vector<16xi32>
            %gather3A = tpu.vector_load_idx %arg8[%add3A_200, %broadcast_in_dim3A_187] : memref<64x640xf32, #tpu.memory_space<vmem>>[vector<16xi32>, vector<16xi32>], vector<16xf32>,
            %add3A_201 = arith.constant 0 : i32
            %add3A_202 = arith.addi %mul3A_196, %add3A_201 : i32
            %swap3A = arith.index_cast %add3A_202 : i32 to index
            %swap3A_203 = tpu.vector_load %arg12[%swap3A] {strides = array<i32>} : memref<8192xf32, #tpu.memory_space<vmem>>, vector<16xf32>,
            tpu.vector_store %arg12[%swap3A], %gather3A {strides = array<i32>} : memref<8192xf32, #tpu.memory_space<vmem>>, vector<16xf32>,
            %iota3A_204 = tpu.iota {dimensions = array<i32: 0>} : vector<16xi32>
            %add3A_205 = arith.constant 16 : i32
            %add3A_206 = vector.broadcast %add3A_205 : i32 to vector<16xi32>
            %add3A_207 = arith.addi %iota3A_204, %add3A_206 : vector<16xi32>
            %gather3A_208 = tpu.vector_load_idx %arg8[%add3A_207, %broadcast_in_dim3A_187] : memref<64x640xf32, #tpu.memory_space<vmem>>[vector<16xi32>, vector<16xi32>], vector<16xf32>,
            %add3A_209 = arith.constant 16 : i32
            %add3A_210 = arith.addi %mul3A_196, %add3A_209 : i32
            %swap3A_211 = arith.index_cast %add3A_210 : i32 to index
            %swap3A_212 = tpu.vector_load %arg12[%swap3A_211] {strides = array<i32>} : memref<8192xf32, #tpu.memory_space<vmem>>, vector<16xf32>,
            tpu.vector_store %arg12[%swap3A_211], %gather3A_208 {strides = array<i32>} : memref<8192xf32, #tpu.memory_space<vmem>>, vector<16xf32>,
            %iota3A_213 = tpu.iota {dimensions = array<i32: 0>} : vector<16xi32>
            %add3A_214 = arith.constant 32 : i32
            %add3A_215 = vector.broadcast %add3A_214 : i32 to vector<16xi32>
            %add3A_216 = arith.addi %iota3A_213, %add3A_215 : vector<16xi32>
            %gather3A_217 = tpu.vector_load_idx %arg8[%add3A_216, %broadcast_in_dim3A_187] : memref<64x640xf32, #tpu.memory_space<vmem>>[vector<16xi32>, vector<16xi32>], vector<16xf32>,
            %add3A_218 = arith.constant 32 : i32
            %add3A_219 = arith.addi %mul3A_196, %add3A_218 : i32
            %swap3A_220 = arith.index_cast %add3A_219 : i32 to index
            %swap3A_221 = tpu.vector_load %arg12[%swap3A_220] {strides = array<i32>} : memref<8192xf32, #tpu.memory_space<vmem>>, vector<16xf32>,
            tpu.vector_store %arg12[%swap3A_220], %gather3A_217 {strides = array<i32>} : memref<8192xf32, #tpu.memory_space<vmem>>, vector<16xf32>,
            %iota3A_222 = tpu.iota {dimensions = array<i32: 0>} : vector<16xi32>
            %add3A_223 = arith.constant 48 : i32
            %add3A_224 = vector.broadcast %add3A_223 : i32 to vector<16xi32>
            %add3A_225 = arith.addi %iota3A_222, %add3A_224 : vector<16xi32>
            %gather3A_226 = tpu.vector_load_idx %arg8[%add3A_225, %broadcast_in_dim3A_187] : memref<64x640xf32, #tpu.memory_space<vmem>>[vector<16xi32>, vector<16xi32>], vector<16xf32>,
            %add3A_227 = arith.constant 48 : i32
            %add3A_228 = arith.addi %mul3A_196, %add3A_227 : i32
            %swap3A_229 = arith.index_cast %add3A_228 : i32 to index
            %swap3A_230 = tpu.vector_load %arg12[%swap3A_229] {strides = array<i32>} : memref<8192xf32, #tpu.memory_space<vmem>>, vector<16xf32>,
            tpu.vector_store %arg12[%swap3A_229], %gather3A_226 {strides = array<i32>} : memref<8192xf32, #tpu.memory_space<vmem>>, vector<16xf32>,
            %mul3A_231 = arith.constant 64 : i32
            %mul3A_232 = arith.muli %reduce_max3A_185, %mul3A_231 : i32
            %dma_start3A_233 = tpu.memref_slice %arg12[%mul3A_196] : memref<8192xf32, #tpu.memory_space<vmem>> -> memref<64xf32, #tpu.memory_space<vmem>>
            %dma_start3A_234 = tpu.memref_slice %arg4[%mul3A_232] : memref<1048576xf32, #tpu.memory_space<hbm>> -> memref<64xf32, #tpu.memory_space<hbm>>
            %dma_start3A_235 = tpu.memref_slice %arg4[%mul3A_232] : memref<1048576xf32, #tpu.memory_space<hbm>> -> memref<64xf32, #tpu.memory_space<hbm>>
            %dma_start3A_236 = tpu.memref_slice %arg12[%mul3A_196] : memref<8192xf32, #tpu.memory_space<vmem>> -> memref<64xf32, #tpu.memory_space<vmem>>
            tpu.enqueue_dma source(%dma_start3A_236 : memref<64xf32, #tpu.memory_space<vmem>>) target(%dma_start3A_235 : memref<64xf32, #tpu.memory_space<hbm>>) target_semaphore(%arg16 : memref<!tpu.dma_semaphore, #tpu.memory_space<semaphore_mem>>)
            %add3A_237 = arith.constant 1 : i32
            %add3A_238 = arith.addi %rem3A_194, %add3A_237 : i32
            scf.yield %add3A_238 : i32
          }
          scf.yield %while3A_155 : i32
        }
        %while3A_74 = arith.constant 1 : i32
        %while3A_75 = scf.for %while3A_95 = %while3A_71 to %while3A_67 step %while3A_74 iter_args(%while3A_96 = %while3A_73) -> (i32)  : i32 {
          %mul3A_97 = arith.muli %while3A_95, %while3A : i32
          %add3A_98 = arith.addi %while3A_63, %mul3A_97 : i32
          %mul3A_99 = arith.constant 16 : i32
          %mul3A_100 = arith.muli %add3A_98, %mul3A_99 : i32
          %get3A = arith.index_cast %mul3A_100 : i32 to index
          %get3A_101 = tpu.vector_load %arg7[%get3A] {strides = array<i32>} : memref<16400xi32, #tpu.memory_space<vmem>>, vector<16xi32>,
          %mul3A_102 = arith.constant 16 : i32
          %mul3A_103 = arith.muli %add3A_98, %mul3A_102 : i32
          %get3A_104 = arith.index_cast %mul3A_103 : i32 to index
          %get3A_105 = tpu.vector_load %arg6[%get3A_104] {strides = array<i32>} : memref<16400xi32, #tpu.memory_space<vmem>>, vector<16xi32>,
          %shift_right_logical3A = arith.constant 7 : i32
          %shift_right_logical3A_106 = vector.broadcast %shift_right_logical3A : i32 to vector<16xi32>
          %shift_right_logical3A_107 = arith.shrui %get3A_101, %shift_right_logical3A_106 : vector<16xi32>
          %mul3A_108 = arith.constant 16 : i32
          %mul3A_109 = arith.muli %add3A_98, %mul3A_108 : i32
          %iota3A = tpu.iota {dimensions = array<i32: 0>} : vector<16xi32>
          %add3A_110 = vector.broadcast %mul3A_109 : i32 to vector<16xi32>
          %add3A_111 = arith.addi %add3A_110, %iota3A : vector<16xi32>
          %lt3A_112 = vector.broadcast %scan3A_17 : i32 to vector<16xi32>
          %lt3A_113 = arith.cmpi slt, %add3A_111, %lt3A_112 : vector<16xi32>
          %shift_right_logical3A_114 = arith.constant 7 : i32
          %shift_right_logical3A_115 = arith.shrui %mul3A_43, %shift_right_logical3A_114 : i32
          %ge3A = vector.broadcast %shift_right_logical3A_115 : i32 to vector<16xi32>
          %ge3A_116 = arith.cmpi sge, %shift_right_logical3A_107, %ge3A : vector<16xi32>
          %shift_right_logical3A_117 = arith.constant 7 : i32
          %shift_right_logical3A_118 = arith.shrui %mul3A_43, %shift_right_logical3A_117 : i32
          %add3A_119 = arith.constant 5 : i32
          %add3A_120 = arith.addi %shift_right_logical3A_118, %add3A_119 : i32
          %lt3A_121 = vector.broadcast %add3A_120 : i32 to vector<16xi32>
          %lt3A_122 = arith.cmpi slt, %shift_right_logical3A_107, %lt3A_121 : vector<16xi32>
          %and3A = arith.andi %ge3A_116, %lt3A_122 : vector<16xi1>
          %and3A_123 = arith.andi %and3A, %lt3A_113 : vector<16xi1>
          %all_reduce_population_count3A = tpu.all_reduce %and3A_123 {dim = 0 : i64, kind = #tpu.reduction_kind<sum>} : vector<16xi1> -> vector<16xi32>
          %reduce_max3A = arith.constant true
          %reduce_max3A_124 = vector.broadcast %reduce_max3A : i1 to vector<16xi1>
          %reduce_max3A_125 = arith.constant -2147483648 : i32
          %reduce_max3A_126 = vector.broadcast %reduce_max3A_125 : i32 to vector<16xi32>
          %reduce_max3A_127 = arith.xori %all_reduce_population_count3A, %reduce_max3A_126 : vector<16xi32>
          %reduce_max3A_128 = tpu.scan <max>, %reduce_max3A_127 masked %reduce_max3A_124 : vector<16xi32>, vector<16xi1> -> vector<16xi32>
          %reduce_max3A_129 = arith.xori %reduce_max3A_128, %reduce_max3A_126 : vector<16xi32>
          %reduce_max3A_130 = vector.extract %reduce_max3A_129[15] : i32 from vector<16xi32>
          %gt3A = arith.constant 0 : i32
          %gt3A_131 = arith.cmpi sgt, %reduce_max3A_130, %gt3A : i32
          %convert_element_type3A_132 = arith.extui %gt3A_131 : i1 to i32
          %cond3A_133 = arith.constant 0 : i32
          %cond3A_134 = arith.cmpi ne, %convert_element_type3A_132, %cond3A_133 : i32
          scf.if %cond3A_134 {
            %swap3A = arith.constant 0 : index
            %swap3A_156 = tpu.vector_load %arg11[%swap3A] masked %and3A_123 {strides = array<i32>} : memref<16xi32, #tpu.memory_space<vmem>>, vector<16xi32>, vector<16xi1>
            tpu.vector_store %arg11[%swap3A], %get3A_101 masked %and3A_123 {strides = array<i32>} : memref<16xi32, #tpu.memory_space<vmem>>, vector<16xi32>, vector<16xi1>
            %swap3A_157 = arith.constant 0 : index
            %swap3A_158 = tpu.vector_load %arg10[%swap3A_157] masked %and3A_123 {strides = array<i32>} : memref<16xi32, #tpu.memory_space<vmem>>, vector<16xi32>, vector<16xi1>
            tpu.vector_store %arg10[%swap3A_157], %get3A_105 masked %and3A_123 {strides = array<i32>} : memref<16xi32, #tpu.memory_space<vmem>>, vector<16xi32>, vector<16xi1>
          } else {
          }
          %sub3A_135 = arith.constant 0 : i32
          %sub3A_136 = arith.subi %reduce_max3A_130, %sub3A_135 : i32
          %sub3A_137 = arith.constant 1 : i32
          %sub3A_138 = arith.constant 1 : i32
          %sub3A_139 = arith.subi %sub3A_137, %sub3A_138 : i32
          %add3A_140 = arith.addi %sub3A_136, %sub3A_139 : i32
          %div3A_141 = arith.constant 1 : i32
          %div3A_142 = arith.divsi %add3A_140, %div3A_141 : i32
          %while3A_143 = arith.constant 1 : i32
          %while3A_144 = arith.constant 0 : i32
          %while3A_145 = arith.constant 0 : i32
          %while3A_146 = arith.subi %div3A_142, %while3A_145 : i32
          %while3A_147 = arith.addi %while3A_145, %while3A_146 : i32
          %while3A_148 = arith.constant 1 : i32
          %while3A_149 = arith.divsi %while3A_146, %while3A_148 : i32
          %while3A_150 = arith.muli %while3A_149, %while3A_148 : i32
          %while3A_151 = arith.addi %while3A_145, %while3A_150 : i32
          %while3A_152 = arith.constant 1 : i32
          %while3A_153 = scf.for %while3A_156 = %while3A_145 to %while3A_151 step %while3A_152 iter_args(%while3A_157 = %while3A_96) -> (i32)  : i32 {
            %mul3A_158 = arith.muli %while3A_156, %while3A_143 : i32
            %add3A_159 = arith.addi %while3A_144, %mul3A_158 : i32
            %get3A_160 = arith.constant 0 : index
            %get3A_161 = tpu.vector_load %arg11[%get3A_160] {strides = array<i32>} : memref<16xi32, #tpu.memory_space<vmem>>, vector<16xi32>,
            %get3A_162 = arith.constant 0 : index
            %get3A_163 = tpu.vector_load %arg10[%get3A_162] {strides = array<i32>} : memref<16xi32, #tpu.memory_space<vmem>>, vector<16xi32>,
            %iota3A_164 = tpu.iota {dimensions = array<i32: 0>} : vector<16xi32>
            %eq3A_165 = vector.broadcast %add3A_159 : i32 to vector<16xi32>
            %eq3A_166 = arith.cmpi eq, %iota3A_164, %eq3A_165 : vector<16xi32>
            %jit3A = arith.constant 0 : i32
            %broadcast_in_dim3A = vector.broadcast %jit3A : i32 to vector<16xi32>
            %select_n3A = arith.select %eq3A_166, %get3A_161, %broadcast_in_dim3A : vector<16xi1>, vector<16xi32>
            %reduce_max3A_167 = arith.constant true
            %reduce_max3A_168 = vector.broadcast %reduce_max3A_167 : i1 to vector<16xi1>
            %reduce_max3A_169 = arith.constant -2147483648 : i32
            %reduce_max3A_170 = vector.broadcast %reduce_max3A_169 : i32 to vector<16xi32>
            %reduce_max3A_171 = arith.xori %select_n3A, %reduce_max3A_170 : vector<16xi32>
            %reduce_max3A_172 = tpu.scan <max>, %reduce_max3A_171 masked %reduce_max3A_168 : vector<16xi32>, vector<16xi1> -> vector<16xi32>
            %reduce_max3A_173 = arith.xori %reduce_max3A_172, %reduce_max3A_170 : vector<16xi32>
            %reduce_max3A_174 = vector.extract %reduce_max3A_173[15] : i32 from vector<16xi32>
            %jit3A_175 = arith.constant 0 : i32
            %broadcast_in_dim3A_176 = vector.broadcast %jit3A_175 : i32 to vector<16xi32>
            %select_n3A_177 = arith.select %eq3A_166, %get3A_163, %broadcast_in_dim3A_176 : vector<16xi1>, vector<16xi32>
            %reduce_max3A_178 = arith.constant true
            %reduce_max3A_179 = vector.broadcast %reduce_max3A_178 : i1 to vector<16xi1>
            %reduce_max3A_180 = arith.constant -2147483648 : i32
            %reduce_max3A_181 = vector.broadcast %reduce_max3A_180 : i32 to vector<16xi32>
            %reduce_max3A_182 = arith.xori %select_n3A_177, %reduce_max3A_181 : vector<16xi32>
            %reduce_max3A_183 = tpu.scan <max>, %reduce_max3A_182 masked %reduce_max3A_179 : vector<16xi32>, vector<16xi1> -> vector<16xi32>
            %reduce_max3A_184 = arith.xori %reduce_max3A_183, %reduce_max3A_181 : vector<16xi32>
            %reduce_max3A_185 = vector.extract %reduce_max3A_184[15] : i32 from vector<16xi32>
            %sub3A_186 = arith.subi %reduce_max3A_174, %mul3A_43 : i32
            %broadcast_in_dim3A_187 = vector.broadcast %sub3A_186 : i32 to vector<16xi32>
            %ge3A_188 = arith.constant 128 : i32
            %ge3A_189 = arith.cmpi sge, %while3A_157, %ge3A_188 : i32
            %convert_element_type3A_190 = arith.extui %ge3A_189 : i1 to i32
            %cond3A_191 = arith.constant 0 : i32
            %cond3A_192 = arith.cmpi ne, %convert_element_type3A_190, %cond3A_191 : i32
            scf.if %cond3A_192 {
              %sub3A_239 = arith.constant 128 : i32
              %sub3A_240 = arith.constant 0 : i32
              %sub3A_241 = arith.subi %sub3A_239, %sub3A_240 : i32
              %sub3A_242 = arith.constant 1 : i32
              %sub3A_243 = arith.constant 1 : i32
              %sub3A_244 = arith.subi %sub3A_242, %sub3A_243 : i32
              %add3A_245 = arith.addi %sub3A_241, %sub3A_244 : i32
              %div3A_246 = arith.constant 1 : i32
              %div3A_247 = arith.divsi %add3A_245, %div3A_246 : i32
              %while3A_248 = arith.constant 1 : i32
              %while3A_249 = arith.constant 0 : i32
              %while3A_250 = arith.constant 0 : i32
              %while3A_251 = arith.subi %div3A_247, %while3A_250 : i32
              %while3A_252 = arith.addi %while3A_250, %while3A_251 : i32
              %while3A_253 = arith.constant 1 : i32
              %while3A_254 = arith.divsi %while3A_251, %while3A_253 : i32
              %while3A_255 = arith.muli %while3A_254, %while3A_253 : i32
              %while3A_256 = arith.addi %while3A_250, %while3A_255 : i32
              %while3A_257 = arith.constant 1 : i32
              scf.for %while3A_259 = %while3A_250 to %while3A_256 step %while3A_257  : i32 {
                %mul3A_260 = arith.muli %while3A_259, %while3A_248 : i32
                %add3A_261 = arith.addi %while3A_249, %mul3A_260 : i32
                %dma_wait3A_262 = arith.constant 0 : i32
                %dma_wait3A_263 = tpu.memref_slice %arg4[%dma_wait3A_262] : memref<1048576xf32, #tpu.memory_space<hbm>> -> memref<64xf32, #tpu.memory_space<hbm>>
                %dma_wait3A_264 = arith.constant 0 : i32
                %dma_wait3A_265 = tpu.memref_slice %arg4[%dma_wait3A_264] : memref<1048576xf32, #tpu.memory_space<hbm>> -> memref<64xf32, #tpu.memory_space<hbm>>
                tpu.wait_dma2 semaphore(%arg16 : memref<!tpu.dma_semaphore, #tpu.memory_space<semaphore_mem>>) src(%dma_wait3A_265 : memref<64xf32, #tpu.memory_space<hbm>>) dst(%arg13 : memref<64xf32, #tpu.memory_space<vmem>>)
              }
              %while3A_258 = arith.constant 1 : i32
              scf.for %while3A_259 = %while3A_256 to %while3A_252 step %while3A_258  : i32 {
                %mul3A_260 = arith.muli %while3A_259, %while3A_248 : i32
                %add3A_261 = arith.addi %while3A_249, %mul3A_260 : i32
                %dma_wait3A_262 = arith.constant 0 : i32
                %dma_wait3A_263 = tpu.memref_slice %arg4[%dma_wait3A_262] : memref<1048576xf32, #tpu.memory_space<hbm>> -> memref<64xf32, #tpu.memory_space<hbm>>
                %dma_wait3A_264 = arith.constant 0 : i32
                %dma_wait3A_265 = tpu.memref_slice %arg4[%dma_wait3A_264] : memref<1048576xf32, #tpu.memory_space<hbm>> -> memref<64xf32, #tpu.memory_space<hbm>>
                tpu.wait_dma2 semaphore(%arg16 : memref<!tpu.dma_semaphore, #tpu.memory_space<semaphore_mem>>) src(%dma_wait3A_265 : memref<64xf32, #tpu.memory_space<hbm>>) dst(%arg13 : memref<64xf32, #tpu.memory_space<vmem>>)
              }
            } else {
            }
            %rem3A_193 = arith.constant 128 : i32
            %rem3A_194 = arith.remsi %while3A_157, %rem3A_193 : i32
            %mul3A_195 = arith.constant 64 : i32
            %mul3A_196 = arith.muli %rem3A_194, %mul3A_195 : i32
            %iota3A_197 = tpu.iota {dimensions = array<i32: 0>} : vector<16xi32>
            %add3A_198 = arith.constant 0 : i32
            %add3A_199 = vector.broadcast %add3A_198 : i32 to vector<16xi32>
            %add3A_200 = arith.addi %iota3A_197, %add3A_199 : vector<16xi32>
            %gather3A = tpu.vector_load_idx %arg8[%add3A_200, %broadcast_in_dim3A_187] : memref<64x640xf32, #tpu.memory_space<vmem>>[vector<16xi32>, vector<16xi32>], vector<16xf32>,
            %add3A_201 = arith.constant 0 : i32
            %add3A_202 = arith.addi %mul3A_196, %add3A_201 : i32
            %swap3A = arith.index_cast %add3A_202 : i32 to index
            %swap3A_203 = tpu.vector_load %arg12[%swap3A] {strides = array<i32>} : memref<8192xf32, #tpu.memory_space<vmem>>, vector<16xf32>,
            tpu.vector_store %arg12[%swap3A], %gather3A {strides = array<i32>} : memref<8192xf32, #tpu.memory_space<vmem>>, vector<16xf32>,
            %iota3A_204 = tpu.iota {dimensions = array<i32: 0>} : vector<16xi32>
            %add3A_205 = arith.constant 16 : i32
            %add3A_206 = vector.broadcast %add3A_205 : i32 to vector<16xi32>
            %add3A_207 = arith.addi %iota3A_204, %add3A_206 : vector<16xi32>
            %gather3A_208 = tpu.vector_load_idx %arg8[%add3A_207, %broadcast_in_dim3A_187] : memref<64x640xf32, #tpu.memory_space<vmem>>[vector<16xi32>, vector<16xi32>], vector<16xf32>,
            %add3A_209 = arith.constant 16 : i32
            %add3A_210 = arith.addi %mul3A_196, %add3A_209 : i32
            %swap3A_211 = arith.index_cast %add3A_210 : i32 to index
            %swap3A_212 = tpu.vector_load %arg12[%swap3A_211] {strides = array<i32>} : memref<8192xf32, #tpu.memory_space<vmem>>, vector<16xf32>,
            tpu.vector_store %arg12[%swap3A_211], %gather3A_208 {strides = array<i32>} : memref<8192xf32, #tpu.memory_space<vmem>>, vector<16xf32>,
            %iota3A_213 = tpu.iota {dimensions = array<i32: 0>} : vector<16xi32>
            %add3A_214 = arith.constant 32 : i32
            %add3A_215 = vector.broadcast %add3A_214 : i32 to vector<16xi32>
            %add3A_216 = arith.addi %iota3A_213, %add3A_215 : vector<16xi32>
            %gather3A_217 = tpu.vector_load_idx %arg8[%add3A_216, %broadcast_in_dim3A_187] : memref<64x640xf32, #tpu.memory_space<vmem>>[vector<16xi32>, vector<16xi32>], vector<16xf32>,
            %add3A_218 = arith.constant 32 : i32
            %add3A_219 = arith.addi %mul3A_196, %add3A_218 : i32
            %swap3A_220 = arith.index_cast %add3A_219 : i32 to index
            %swap3A_221 = tpu.vector_load %arg12[%swap3A_220] {strides = array<i32>} : memref<8192xf32, #tpu.memory_space<vmem>>, vector<16xf32>,
            tpu.vector_store %arg12[%swap3A_220], %gather3A_217 {strides = array<i32>} : memref<8192xf32, #tpu.memory_space<vmem>>, vector<16xf32>,
            %iota3A_222 = tpu.iota {dimensions = array<i32: 0>} : vector<16xi32>
            %add3A_223 = arith.constant 48 : i32
            %add3A_224 = vector.broadcast %add3A_223 : i32 to vector<16xi32>
            %add3A_225 = arith.addi %iota3A_222, %add3A_224 : vector<16xi32>
            %gather3A_226 = tpu.vector_load_idx %arg8[%add3A_225, %broadcast_in_dim3A_187] : memref<64x640xf32, #tpu.memory_space<vmem>>[vector<16xi32>, vector<16xi32>], vector<16xf32>,
            %add3A_227 = arith.constant 48 : i32
            %add3A_228 = arith.addi %mul3A_196, %add3A_227 : i32
            %swap3A_229 = arith.index_cast %add3A_228 : i32 to index
            %swap3A_230 = tpu.vector_load %arg12[%swap3A_229] {strides = array<i32>} : memref<8192xf32, #tpu.memory_space<vmem>>, vector<16xf32>,
            tpu.vector_store %arg12[%swap3A_229], %gather3A_226 {strides = array<i32>} : memref<8192xf32, #tpu.memory_space<vmem>>, vector<16xf32>,
            %mul3A_231 = arith.constant 64 : i32
            %mul3A_232 = arith.muli %reduce_max3A_185, %mul3A_231 : i32
            %dma_start3A_233 = tpu.memref_slice %arg12[%mul3A_196] : memref<8192xf32, #tpu.memory_space<vmem>> -> memref<64xf32, #tpu.memory_space<vmem>>
            %dma_start3A_234 = tpu.memref_slice %arg4[%mul3A_232] : memref<1048576xf32, #tpu.memory_space<hbm>> -> memref<64xf32, #tpu.memory_space<hbm>>
            %dma_start3A_235 = tpu.memref_slice %arg4[%mul3A_232] : memref<1048576xf32, #tpu.memory_space<hbm>> -> memref<64xf32, #tpu.memory_space<hbm>>
            %dma_start3A_236 = tpu.memref_slice %arg12[%mul3A_196] : memref<8192xf32, #tpu.memory_space<vmem>> -> memref<64xf32, #tpu.memory_space<vmem>>
            tpu.enqueue_dma source(%dma_start3A_236 : memref<64xf32, #tpu.memory_space<vmem>>) target(%dma_start3A_235 : memref<64xf32, #tpu.memory_space<hbm>>) target_semaphore(%arg16 : memref<!tpu.dma_semaphore, #tpu.memory_space<semaphore_mem>>)
            %add3A_237 = arith.constant 1 : i32
            %add3A_238 = arith.addi %rem3A_194, %add3A_237 : i32
            scf.yield %add3A_238 : i32
          }
          %while3A_154 = arith.constant 1 : i32
          %while3A_155 = scf.for %while3A_156 = %while3A_151 to %while3A_147 step %while3A_154 iter_args(%while3A_157 = %while3A_153) -> (i32)  : i32 {
            %mul3A_158 = arith.muli %while3A_156, %while3A_143 : i32
            %add3A_159 = arith.addi %while3A_144, %mul3A_158 : i32
            %get3A_160 = arith.constant 0 : index
            %get3A_161 = tpu.vector_load %arg11[%get3A_160] {strides = array<i32>} : memref<16xi32, #tpu.memory_space<vmem>>, vector<16xi32>,
            %get3A_162 = arith.constant 0 : index
            %get3A_163 = tpu.vector_load %arg10[%get3A_162] {strides = array<i32>} : memref<16xi32, #tpu.memory_space<vmem>>, vector<16xi32>,
            %iota3A_164 = tpu.iota {dimensions = array<i32: 0>} : vector<16xi32>
            %eq3A_165 = vector.broadcast %add3A_159 : i32 to vector<16xi32>
            %eq3A_166 = arith.cmpi eq, %iota3A_164, %eq3A_165 : vector<16xi32>
            %jit3A = arith.constant 0 : i32
            %broadcast_in_dim3A = vector.broadcast %jit3A : i32 to vector<16xi32>
            %select_n3A = arith.select %eq3A_166, %get3A_161, %broadcast_in_dim3A : vector<16xi1>, vector<16xi32>
            %reduce_max3A_167 = arith.constant true
            %reduce_max3A_168 = vector.broadcast %reduce_max3A_167 : i1 to vector<16xi1>
            %reduce_max3A_169 = arith.constant -2147483648 : i32
            %reduce_max3A_170 = vector.broadcast %reduce_max3A_169 : i32 to vector<16xi32>
            %reduce_max3A_171 = arith.xori %select_n3A, %reduce_max3A_170 : vector<16xi32>
            %reduce_max3A_172 = tpu.scan <max>, %reduce_max3A_171 masked %reduce_max3A_168 : vector<16xi32>, vector<16xi1> -> vector<16xi32>
            %reduce_max3A_173 = arith.xori %reduce_max3A_172, %reduce_max3A_170 : vector<16xi32>
            %reduce_max3A_174 = vector.extract %reduce_max3A_173[15] : i32 from vector<16xi32>
            %jit3A_175 = arith.constant 0 : i32
            %broadcast_in_dim3A_176 = vector.broadcast %jit3A_175 : i32 to vector<16xi32>
            %select_n3A_177 = arith.select %eq3A_166, %get3A_163, %broadcast_in_dim3A_176 : vector<16xi1>, vector<16xi32>
            %reduce_max3A_178 = arith.constant true
            %reduce_max3A_179 = vector.broadcast %reduce_max3A_178 : i1 to vector<16xi1>
            %reduce_max3A_180 = arith.constant -2147483648 : i32
            %reduce_max3A_181 = vector.broadcast %reduce_max3A_180 : i32 to vector<16xi32>
            %reduce_max3A_182 = arith.xori %select_n3A_177, %reduce_max3A_181 : vector<16xi32>
            %reduce_max3A_183 = tpu.scan <max>, %reduce_max3A_182 masked %reduce_max3A_179 : vector<16xi32>, vector<16xi1> -> vector<16xi32>
            %reduce_max3A_184 = arith.xori %reduce_max3A_183, %reduce_max3A_181 : vector<16xi32>
            %reduce_max3A_185 = vector.extract %reduce_max3A_184[15] : i32 from vector<16xi32>
            %sub3A_186 = arith.subi %reduce_max3A_174, %mul3A_43 : i32
            %broadcast_in_dim3A_187 = vector.broadcast %sub3A_186 : i32 to vector<16xi32>
            %ge3A_188 = arith.constant 128 : i32
            %ge3A_189 = arith.cmpi sge, %while3A_157, %ge3A_188 : i32
            %convert_element_type3A_190 = arith.extui %ge3A_189 : i1 to i32
            %cond3A_191 = arith.constant 0 : i32
            %cond3A_192 = arith.cmpi ne, %convert_element_type3A_190, %cond3A_191 : i32
            scf.if %cond3A_192 {
              %sub3A_239 = arith.constant 128 : i32
              %sub3A_240 = arith.constant 0 : i32
              %sub3A_241 = arith.subi %sub3A_239, %sub3A_240 : i32
              %sub3A_242 = arith.constant 1 : i32
              %sub3A_243 = arith.constant 1 : i32
              %sub3A_244 = arith.subi %sub3A_242, %sub3A_243 : i32
              %add3A_245 = arith.addi %sub3A_241, %sub3A_244 : i32
              %div3A_246 = arith.constant 1 : i32
              %div3A_247 = arith.divsi %add3A_245, %div3A_246 : i32
              %while3A_248 = arith.constant 1 : i32
              %while3A_249 = arith.constant 0 : i32
              %while3A_250 = arith.constant 0 : i32
              %while3A_251 = arith.subi %div3A_247, %while3A_250 : i32
              %while3A_252 = arith.addi %while3A_250, %while3A_251 : i32
              %while3A_253 = arith.constant 1 : i32
              %while3A_254 = arith.divsi %while3A_251, %while3A_253 : i32
              %while3A_255 = arith.muli %while3A_254, %while3A_253 : i32
              %while3A_256 = arith.addi %while3A_250, %while3A_255 : i32
              %while3A_257 = arith.constant 1 : i32
              scf.for %while3A_259 = %while3A_250 to %while3A_256 step %while3A_257  : i32 {
                %mul3A_260 = arith.muli %while3A_259, %while3A_248 : i32
                %add3A_261 = arith.addi %while3A_249, %mul3A_260 : i32
                %dma_wait3A_262 = arith.constant 0 : i32
                %dma_wait3A_263 = tpu.memref_slice %arg4[%dma_wait3A_262] : memref<1048576xf32, #tpu.memory_space<hbm>> -> memref<64xf32, #tpu.memory_space<hbm>>
                %dma_wait3A_264 = arith.constant 0 : i32
                %dma_wait3A_265 = tpu.memref_slice %arg4[%dma_wait3A_264] : memref<1048576xf32, #tpu.memory_space<hbm>> -> memref<64xf32, #tpu.memory_space<hbm>>
                tpu.wait_dma2 semaphore(%arg16 : memref<!tpu.dma_semaphore, #tpu.memory_space<semaphore_mem>>) src(%dma_wait3A_265 : memref<64xf32, #tpu.memory_space<hbm>>) dst(%arg13 : memref<64xf32, #tpu.memory_space<vmem>>)
              }
              %while3A_258 = arith.constant 1 : i32
              scf.for %while3A_259 = %while3A_256 to %while3A_252 step %while3A_258  : i32 {
                %mul3A_260 = arith.muli %while3A_259, %while3A_248 : i32
                %add3A_261 = arith.addi %while3A_249, %mul3A_260 : i32
                %dma_wait3A_262 = arith.constant 0 : i32
                %dma_wait3A_263 = tpu.memref_slice %arg4[%dma_wait3A_262] : memref<1048576xf32, #tpu.memory_space<hbm>> -> memref<64xf32, #tpu.memory_space<hbm>>
                %dma_wait3A_264 = arith.constant 0 : i32
                %dma_wait3A_265 = tpu.memref_slice %arg4[%dma_wait3A_264] : memref<1048576xf32, #tpu.memory_space<hbm>> -> memref<64xf32, #tpu.memory_space<hbm>>
                tpu.wait_dma2 semaphore(%arg16 : memref<!tpu.dma_semaphore, #tpu.memory_space<semaphore_mem>>) src(%dma_wait3A_265 : memref<64xf32, #tpu.memory_space<hbm>>) dst(%arg13 : memref<64xf32, #tpu.memory_space<vmem>>)
              }
            } else {
            }
            %rem3A_193 = arith.constant 128 : i32
            %rem3A_194 = arith.remsi %while3A_157, %rem3A_193 : i32
            %mul3A_195 = arith.constant 64 : i32
            %mul3A_196 = arith.muli %rem3A_194, %mul3A_195 : i32
            %iota3A_197 = tpu.iota {dimensions = array<i32: 0>} : vector<16xi32>
            %add3A_198 = arith.constant 0 : i32
            %add3A_199 = vector.broadcast %add3A_198 : i32 to vector<16xi32>
            %add3A_200 = arith.addi %iota3A_197, %add3A_199 : vector<16xi32>
            %gather3A = tpu.vector_load_idx %arg8[%add3A_200, %broadcast_in_dim3A_187] : memref<64x640xf32, #tpu.memory_space<vmem>>[vector<16xi32>, vector<16xi32>], vector<16xf32>,
            %add3A_201 = arith.constant 0 : i32
            %add3A_202 = arith.addi %mul3A_196, %add3A_201 : i32
            %swap3A = arith.index_cast %add3A_202 : i32 to index
            %swap3A_203 = tpu.vector_load %arg12[%swap3A] {strides = array<i32>} : memref<8192xf32, #tpu.memory_space<vmem>>, vector<16xf32>,
            tpu.vector_store %arg12[%swap3A], %gather3A {strides = array<i32>} : memref<8192xf32, #tpu.memory_space<vmem>>, vector<16xf32>,
            %iota3A_204 = tpu.iota {dimensions = array<i32: 0>} : vector<16xi32>
            %add3A_205 = arith.constant 16 : i32
            %add3A_206 = vector.broadcast %add3A_205 : i32 to vector<16xi32>
            %add3A_207 = arith.addi %iota3A_204, %add3A_206 : vector<16xi32>
            %gather3A_208 = tpu.vector_load_idx %arg8[%add3A_207, %broadcast_in_dim3A_187] : memref<64x640xf32, #tpu.memory_space<vmem>>[vector<16xi32>, vector<16xi32>], vector<16xf32>,
            %add3A_209 = arith.constant 16 : i32
            %add3A_210 = arith.addi %mul3A_196, %add3A_209 : i32
            %swap3A_211 = arith.index_cast %add3A_210 : i32 to index
            %swap3A_212 = tpu.vector_load %arg12[%swap3A_211] {strides = array<i32>} : memref<8192xf32, #tpu.memory_space<vmem>>, vector<16xf32>,
            tpu.vector_store %arg12[%swap3A_211], %gather3A_208 {strides = array<i32>} : memref<8192xf32, #tpu.memory_space<vmem>>, vector<16xf32>,
            %iota3A_213 = tpu.iota {dimensions = array<i32: 0>} : vector<16xi32>
            %add3A_214 = arith.constant 32 : i32
            %add3A_215 = vector.broadcast %add3A_214 : i32 to vector<16xi32>
            %add3A_216 = arith.addi %iota3A_213, %add3A_215 : vector<16xi32>
            %gather3A_217 = tpu.vector_load_idx %arg8[%add3A_216, %broadcast_in_dim3A_187] : memref<64x640xf32, #tpu.memory_space<vmem>>[vector<16xi32>, vector<16xi32>], vector<16xf32>,
            %add3A_218 = arith.constant 32 : i32
            %add3A_219 = arith.addi %mul3A_196, %add3A_218 : i32
            %swap3A_220 = arith.index_cast %add3A_219 : i32 to index
            %swap3A_221 = tpu.vector_load %arg12[%swap3A_220] {strides = array<i32>} : memref<8192xf32, #tpu.memory_space<vmem>>, vector<16xf32>,
            tpu.vector_store %arg12[%swap3A_220], %gather3A_217 {strides = array<i32>} : memref<8192xf32, #tpu.memory_space<vmem>>, vector<16xf32>,
            %iota3A_222 = tpu.iota {dimensions = array<i32: 0>} : vector<16xi32>
            %add3A_223 = arith.constant 48 : i32
            %add3A_224 = vector.broadcast %add3A_223 : i32 to vector<16xi32>
            %add3A_225 = arith.addi %iota3A_222, %add3A_224 : vector<16xi32>
            %gather3A_226 = tpu.vector_load_idx %arg8[%add3A_225, %broadcast_in_dim3A_187] : memref<64x640xf32, #tpu.memory_space<vmem>>[vector<16xi32>, vector<16xi32>], vector<16xf32>,
            %add3A_227 = arith.constant 48 : i32
            %add3A_228 = arith.addi %mul3A_196, %add3A_227 : i32
            %swap3A_229 = arith.index_cast %add3A_228 : i32 to index
            %swap3A_230 = tpu.vector_load %arg12[%swap3A_229] {strides = array<i32>} : memref<8192xf32, #tpu.memory_space<vmem>>, vector<16xf32>,
            tpu.vector_store %arg12[%swap3A_229], %gather3A_226 {strides = array<i32>} : memref<8192xf32, #tpu.memory_space<vmem>>, vector<16xf32>,
            %mul3A_231 = arith.constant 64 : i32
            %mul3A_232 = arith.muli %reduce_max3A_185, %mul3A_231 : i32
            %dma_start3A_233 = tpu.memref_slice %arg12[%mul3A_196] : memref<8192xf32, #tpu.memory_space<vmem>> -> memref<64xf32, #tpu.memory_space<vmem>>
            %dma_start3A_234 = tpu.memref_slice %arg4[%mul3A_232] : memref<1048576xf32, #tpu.memory_space<hbm>> -> memref<64xf32, #tpu.memory_space<hbm>>
            %dma_start3A_235 = tpu.memref_slice %arg4[%mul3A_232] : memref<1048576xf32, #tpu.memory_space<hbm>> -> memref<64xf32, #tpu.memory_space<hbm>>
            %dma_start3A_236 = tpu.memref_slice %arg12[%mul3A_196] : memref<8192xf32, #tpu.memory_space<vmem>> -> memref<64xf32, #tpu.memory_space<vmem>>
            tpu.enqueue_dma source(%dma_start3A_236 : memref<64xf32, #tpu.memory_space<vmem>>) target(%dma_start3A_235 : memref<64xf32, #tpu.memory_space<hbm>>) target_semaphore(%arg16 : memref<!tpu.dma_semaphore, #tpu.memory_space<semaphore_mem>>)
            %add3A_237 = arith.constant 1 : i32
            %add3A_238 = arith.addi %rem3A_194, %add3A_237 : i32
            scf.yield %add3A_238 : i32
          }
          scf.yield %while3A_155 : i32
        }
        %sub3A_76 = arith.constant 0 : i32
        %sub3A_77 = arith.subi %while3A_75, %sub3A_76 : i32
        %sub3A_78 = arith.constant 1 : i32
        %sub3A_79 = arith.constant 1 : i32
        %sub3A_80 = arith.subi %sub3A_78, %sub3A_79 : i32
        %add3A_81 = arith.addi %sub3A_77, %sub3A_80 : i32
        %div3A_82 = arith.constant 1 : i32
        %div3A_83 = arith.divsi %add3A_81, %div3A_82 : i32
        %while3A_84 = arith.constant 1 : i32
        %while3A_85 = arith.constant 0 : i32
        %while3A_86 = arith.constant 0 : i32
        %while3A_87 = arith.subi %div3A_83, %while3A_86 : i32
        %while3A_88 = arith.addi %while3A_86, %while3A_87 : i32
        %while3A_89 = arith.constant 1 : i32
        %while3A_90 = arith.divsi %while3A_87, %while3A_89 : i32
        %while3A_91 = arith.muli %while3A_90, %while3A_89 : i32
        %while3A_92 = arith.addi %while3A_86, %while3A_91 : i32
        %while3A_93 = arith.constant 1 : i32
        scf.for %while3A_95 = %while3A_86 to %while3A_92 step %while3A_93  : i32 {
          %mul3A_96 = arith.muli %while3A_95, %while3A_84 : i32
          %add3A_97 = arith.addi %while3A_85, %mul3A_96 : i32
          %dma_wait3A_98 = arith.constant 0 : i32
          %dma_wait3A_99 = tpu.memref_slice %arg4[%dma_wait3A_98] : memref<1048576xf32, #tpu.memory_space<hbm>> -> memref<64xf32, #tpu.memory_space<hbm>>
          %dma_wait3A_100 = arith.constant 0 : i32
          %dma_wait3A_101 = tpu.memref_slice %arg4[%dma_wait3A_100] : memref<1048576xf32, #tpu.memory_space<hbm>> -> memref<64xf32, #tpu.memory_space<hbm>>
          tpu.wait_dma2 semaphore(%arg16 : memref<!tpu.dma_semaphore, #tpu.memory_space<semaphore_mem>>) src(%dma_wait3A_101 : memref<64xf32, #tpu.memory_space<hbm>>) dst(%arg13 : memref<64xf32, #tpu.memory_space<vmem>>)
        }
        %while3A_94 = arith.constant 1 : i32
        scf.for %while3A_95 = %while3A_92 to %while3A_88 step %while3A_94  : i32 {
          %mul3A_96 = arith.muli %while3A_95, %while3A_84 : i32
          %add3A_97 = arith.addi %while3A_85, %mul3A_96 : i32
          %dma_wait3A_98 = arith.constant 0 : i32
          %dma_wait3A_99 = tpu.memref_slice %arg4[%dma_wait3A_98] : memref<1048576xf32, #tpu.memory_space<hbm>> -> memref<64xf32, #tpu.memory_space<hbm>>
          %dma_wait3A_100 = arith.constant 0 : i32
          %dma_wait3A_101 = tpu.memref_slice %arg4[%dma_wait3A_100] : memref<1048576xf32, #tpu.memory_space<hbm>> -> memref<64xf32, #tpu.memory_space<hbm>>
          tpu.wait_dma2 semaphore(%arg16 : memref<!tpu.dma_semaphore, #tpu.memory_space<semaphore_mem>>) src(%dma_wait3A_101 : memref<64xf32, #tpu.memory_space<hbm>>) dst(%arg13 : memref<64xf32, #tpu.memory_space<vmem>>)
        }
      } else {
      }
      %eq3A_48 = arith.constant 1 : i32
      %eq3A_49 = arith.cmpi eq, %rem3A_32, %eq3A_48 : i32
      %convert_element_type3A_50 = arith.extui %eq3A_49 : i1 to i32
      %cond3A_51 = arith.constant 0 : i32
      %cond3A_52 = arith.cmpi ne, %convert_element_type3A_50, %cond3A_51 : i32
      scf.if %cond3A_52 {
        %dma_wait3A = arith.constant 0 : i32
        %dma_wait3A_53 = tpu.memref_slice %arg3[%dma_wait3A, %mul3A_43] : memref<64x1000001xf32, #tpu.memory_space<hbm>> -> memref<64x640xf32, #tpu.memory_space<hbm>>
        %dma_wait3A_54 = arith.constant 0 : i32
        %dma_wait3A_55 = tpu.memref_slice %arg3[%dma_wait3A_54, %mul3A_43] : memref<64x1000001xf32, #tpu.memory_space<hbm>> -> memref<64x640xf32, #tpu.memory_space<hbm>>
        tpu.wait_dma2 semaphore(%arg15 : memref<!tpu.dma_semaphore, #tpu.memory_space<semaphore_mem>>) src(%dma_wait3A_55 : memref<64x640xf32, #tpu.memory_space<hbm>>) dst(%arg9 : memref<64x640xf32, #tpu.memory_space<vmem>>)
        %sub3A = arith.constant 0 : i32
        %sub3A_56 = arith.subi %div3A_21, %sub3A : i32
        %sub3A_57 = arith.constant 1 : i32
        %sub3A_58 = arith.constant 1 : i32
        %sub3A_59 = arith.subi %sub3A_57, %sub3A_58 : i32
        %add3A_60 = arith.addi %sub3A_56, %sub3A_59 : i32
        %div3A_61 = arith.constant 1 : i32
        %div3A_62 = arith.divsi %add3A_60, %div3A_61 : i32
        %while3A = arith.constant 1 : i32
        %while3A_63 = arith.constant 0 : i32
        %while3A_64 = arith.constant 0 : i32
        %while3A_65 = arith.constant 0 : i32
        %while3A_66 = arith.subi %div3A_62, %while3A_64 : i32
        %while3A_67 = arith.addi %while3A_64, %while3A_66 : i32
        %while3A_68 = arith.constant 1 : i32
        %while3A_69 = arith.divsi %while3A_66, %while3A_68 : i32
        %while3A_70 = arith.muli %while3A_69, %while3A_68 : i32
        %while3A_71 = arith.addi %while3A_64, %while3A_70 : i32
        %while3A_72 = arith.constant 1 : i32
        %while3A_73 = scf.for %while3A_95 = %while3A_64 to %while3A_71 step %while3A_72 iter_args(%while3A_96 = %while3A_65) -> (i32)  : i32 {
          %mul3A_97 = arith.muli %while3A_95, %while3A : i32
          %add3A_98 = arith.addi %while3A_63, %mul3A_97 : i32
          %mul3A_99 = arith.constant 16 : i32
          %mul3A_100 = arith.muli %add3A_98, %mul3A_99 : i32
          %get3A = arith.index_cast %mul3A_100 : i32 to index
          %get3A_101 = tpu.vector_load %arg7[%get3A] {strides = array<i32>} : memref<16400xi32, #tpu.memory_space<vmem>>, vector<16xi32>,
          %mul3A_102 = arith.constant 16 : i32
          %mul3A_103 = arith.muli %add3A_98, %mul3A_102 : i32
          %get3A_104 = arith.index_cast %mul3A_103 : i32 to index
          %get3A_105 = tpu.vector_load %arg6[%get3A_104] {strides = array<i32>} : memref<16400xi32, #tpu.memory_space<vmem>>, vector<16xi32>,
          %shift_right_logical3A = arith.constant 7 : i32
          %shift_right_logical3A_106 = vector.broadcast %shift_right_logical3A : i32 to vector<16xi32>
          %shift_right_logical3A_107 = arith.shrui %get3A_101, %shift_right_logical3A_106 : vector<16xi32>
          %mul3A_108 = arith.constant 16 : i32
          %mul3A_109 = arith.muli %add3A_98, %mul3A_108 : i32
          %iota3A = tpu.iota {dimensions = array<i32: 0>} : vector<16xi32>
          %add3A_110 = vector.broadcast %mul3A_109 : i32 to vector<16xi32>
          %add3A_111 = arith.addi %add3A_110, %iota3A : vector<16xi32>
          %lt3A_112 = vector.broadcast %scan3A_17 : i32 to vector<16xi32>
          %lt3A_113 = arith.cmpi slt, %add3A_111, %lt3A_112 : vector<16xi32>
          %shift_right_logical3A_114 = arith.constant 7 : i32
          %shift_right_logical3A_115 = arith.shrui %mul3A_43, %shift_right_logical3A_114 : i32
          %ge3A = vector.broadcast %shift_right_logical3A_115 : i32 to vector<16xi32>
          %ge3A_116 = arith.cmpi sge, %shift_right_logical3A_107, %ge3A : vector<16xi32>
          %shift_right_logical3A_117 = arith.constant 7 : i32
          %shift_right_logical3A_118 = arith.shrui %mul3A_43, %shift_right_logical3A_117 : i32
          %add3A_119 = arith.constant 5 : i32
          %add3A_120 = arith.addi %shift_right_logical3A_118, %add3A_119 : i32
          %lt3A_121 = vector.broadcast %add3A_120 : i32 to vector<16xi32>
          %lt3A_122 = arith.cmpi slt, %shift_right_logical3A_107, %lt3A_121 : vector<16xi32>
          %and3A = arith.andi %ge3A_116, %lt3A_122 : vector<16xi1>
          %and3A_123 = arith.andi %and3A, %lt3A_113 : vector<16xi1>
          %all_reduce_population_count3A = tpu.all_reduce %and3A_123 {dim = 0 : i64, kind = #tpu.reduction_kind<sum>} : vector<16xi1> -> vector<16xi32>
          %reduce_max3A = arith.constant true
          %reduce_max3A_124 = vector.broadcast %reduce_max3A : i1 to vector<16xi1>
          %reduce_max3A_125 = arith.constant -2147483648 : i32
          %reduce_max3A_126 = vector.broadcast %reduce_max3A_125 : i32 to vector<16xi32>
          %reduce_max3A_127 = arith.xori %all_reduce_population_count3A, %reduce_max3A_126 : vector<16xi32>
          %reduce_max3A_128 = tpu.scan <max>, %reduce_max3A_127 masked %reduce_max3A_124 : vector<16xi32>, vector<16xi1> -> vector<16xi32>
          %reduce_max3A_129 = arith.xori %reduce_max3A_128, %reduce_max3A_126 : vector<16xi32>
          %reduce_max3A_130 = vector.extract %reduce_max3A_129[15] : i32 from vector<16xi32>
          %gt3A = arith.constant 0 : i32
          %gt3A_131 = arith.cmpi sgt, %reduce_max3A_130, %gt3A : i32
          %convert_element_type3A_132 = arith.extui %gt3A_131 : i1 to i32
          %cond3A_133 = arith.constant 0 : i32
          %cond3A_134 = arith.cmpi ne, %convert_element_type3A_132, %cond3A_133 : i32
          scf.if %cond3A_134 {
            %swap3A = arith.constant 0 : index
            %swap3A_156 = tpu.vector_load %arg11[%swap3A] masked %and3A_123 {strides = array<i32>} : memref<16xi32, #tpu.memory_space<vmem>>, vector<16xi32>, vector<16xi1>
            tpu.vector_store %arg11[%swap3A], %get3A_101 masked %and3A_123 {strides = array<i32>} : memref<16xi32, #tpu.memory_space<vmem>>, vector<16xi32>, vector<16xi1>
            %swap3A_157 = arith.constant 0 : index
            %swap3A_158 = tpu.vector_load %arg10[%swap3A_157] masked %and3A_123 {strides = array<i32>} : memref<16xi32, #tpu.memory_space<vmem>>, vector<16xi32>, vector<16xi1>
            tpu.vector_store %arg10[%swap3A_157], %get3A_105 masked %and3A_123 {strides = array<i32>} : memref<16xi32, #tpu.memory_space<vmem>>, vector<16xi32>, vector<16xi1>
          } else {
          }
          %sub3A_135 = arith.constant 0 : i32
          %sub3A_136 = arith.subi %reduce_max3A_130, %sub3A_135 : i32
          %sub3A_137 = arith.constant 1 : i32
          %sub3A_138 = arith.constant 1 : i32
          %sub3A_139 = arith.subi %sub3A_137, %sub3A_138 : i32
          %add3A_140 = arith.addi %sub3A_136, %sub3A_139 : i32
          %div3A_141 = arith.constant 1 : i32
          %div3A_142 = arith.divsi %add3A_140, %div3A_141 : i32
          %while3A_143 = arith.constant 1 : i32
          %while3A_144 = arith.constant 0 : i32
          %while3A_145 = arith.constant 0 : i32
          %while3A_146 = arith.subi %div3A_142, %while3A_145 : i32
          %while3A_147 = arith.addi %while3A_145, %while3A_146 : i32
          %while3A_148 = arith.constant 1 : i32
          %while3A_149 = arith.divsi %while3A_146, %while3A_148 : i32
          %while3A_150 = arith.muli %while3A_149, %while3A_148 : i32
          %while3A_151 = arith.addi %while3A_145, %while3A_150 : i32
          %while3A_152 = arith.constant 1 : i32
          %while3A_153 = scf.for %while3A_156 = %while3A_145 to %while3A_151 step %while3A_152 iter_args(%while3A_157 = %while3A_96) -> (i32)  : i32 {
            %mul3A_158 = arith.muli %while3A_156, %while3A_143 : i32
            %add3A_159 = arith.addi %while3A_144, %mul3A_158 : i32
            %get3A_160 = arith.constant 0 : index
            %get3A_161 = tpu.vector_load %arg11[%get3A_160] {strides = array<i32>} : memref<16xi32, #tpu.memory_space<vmem>>, vector<16xi32>,
            %get3A_162 = arith.constant 0 : index
            %get3A_163 = tpu.vector_load %arg10[%get3A_162] {strides = array<i32>} : memref<16xi32, #tpu.memory_space<vmem>>, vector<16xi32>,
            %iota3A_164 = tpu.iota {dimensions = array<i32: 0>} : vector<16xi32>
            %eq3A_165 = vector.broadcast %add3A_159 : i32 to vector<16xi32>
            %eq3A_166 = arith.cmpi eq, %iota3A_164, %eq3A_165 : vector<16xi32>
            %jit3A = arith.constant 0 : i32
            %broadcast_in_dim3A = vector.broadcast %jit3A : i32 to vector<16xi32>
            %select_n3A = arith.select %eq3A_166, %get3A_161, %broadcast_in_dim3A : vector<16xi1>, vector<16xi32>
            %reduce_max3A_167 = arith.constant true
            %reduce_max3A_168 = vector.broadcast %reduce_max3A_167 : i1 to vector<16xi1>
            %reduce_max3A_169 = arith.constant -2147483648 : i32
            %reduce_max3A_170 = vector.broadcast %reduce_max3A_169 : i32 to vector<16xi32>
            %reduce_max3A_171 = arith.xori %select_n3A, %reduce_max3A_170 : vector<16xi32>
            %reduce_max3A_172 = tpu.scan <max>, %reduce_max3A_171 masked %reduce_max3A_168 : vector<16xi32>, vector<16xi1> -> vector<16xi32>
            %reduce_max3A_173 = arith.xori %reduce_max3A_172, %reduce_max3A_170 : vector<16xi32>
            %reduce_max3A_174 = vector.extract %reduce_max3A_173[15] : i32 from vector<16xi32>
            %jit3A_175 = arith.constant 0 : i32
            %broadcast_in_dim3A_176 = vector.broadcast %jit3A_175 : i32 to vector<16xi32>
            %select_n3A_177 = arith.select %eq3A_166, %get3A_163, %broadcast_in_dim3A_176 : vector<16xi1>, vector<16xi32>
            %reduce_max3A_178 = arith.constant true
            %reduce_max3A_179 = vector.broadcast %reduce_max3A_178 : i1 to vector<16xi1>
            %reduce_max3A_180 = arith.constant -2147483648 : i32
            %reduce_max3A_181 = vector.broadcast %reduce_max3A_180 : i32 to vector<16xi32>
            %reduce_max3A_182 = arith.xori %select_n3A_177, %reduce_max3A_181 : vector<16xi32>
            %reduce_max3A_183 = tpu.scan <max>, %reduce_max3A_182 masked %reduce_max3A_179 : vector<16xi32>, vector<16xi1> -> vector<16xi32>
            %reduce_max3A_184 = arith.xori %reduce_max3A_183, %reduce_max3A_181 : vector<16xi32>
            %reduce_max3A_185 = vector.extract %reduce_max3A_184[15] : i32 from vector<16xi32>
            %sub3A_186 = arith.subi %reduce_max3A_174, %mul3A_43 : i32
            %broadcast_in_dim3A_187 = vector.broadcast %sub3A_186 : i32 to vector<16xi32>
            %ge3A_188 = arith.constant 128 : i32
            %ge3A_189 = arith.cmpi sge, %while3A_157, %ge3A_188 : i32
            %convert_element_type3A_190 = arith.extui %ge3A_189 : i1 to i32
            %cond3A_191 = arith.constant 0 : i32
            %cond3A_192 = arith.cmpi ne, %convert_element_type3A_190, %cond3A_191 : i32
            scf.if %cond3A_192 {
              %sub3A_239 = arith.constant 128 : i32
              %sub3A_240 = arith.constant 0 : i32
              %sub3A_241 = arith.subi %sub3A_239, %sub3A_240 : i32
              %sub3A_242 = arith.constant 1 : i32
              %sub3A_243 = arith.constant 1 : i32
              %sub3A_244 = arith.subi %sub3A_242, %sub3A_243 : i32
              %add3A_245 = arith.addi %sub3A_241, %sub3A_244 : i32
              %div3A_246 = arith.constant 1 : i32
              %div3A_247 = arith.divsi %add3A_245, %div3A_246 : i32
              %while3A_248 = arith.constant 1 : i32
              %while3A_249 = arith.constant 0 : i32
              %while3A_250 = arith.constant 0 : i32
              %while3A_251 = arith.subi %div3A_247, %while3A_250 : i32
              %while3A_252 = arith.addi %while3A_250, %while3A_251 : i32
              %while3A_253 = arith.constant 1 : i32
              %while3A_254 = arith.divsi %while3A_251, %while3A_253 : i32
              %while3A_255 = arith.muli %while3A_254, %while3A_253 : i32
              %while3A_256 = arith.addi %while3A_250, %while3A_255 : i32
              %while3A_257 = arith.constant 1 : i32
              scf.for %while3A_259 = %while3A_250 to %while3A_256 step %while3A_257  : i32 {
                %mul3A_260 = arith.muli %while3A_259, %while3A_248 : i32
                %add3A_261 = arith.addi %while3A_249, %mul3A_260 : i32
                %dma_wait3A_262 = arith.constant 0 : i32
                %dma_wait3A_263 = tpu.memref_slice %arg4[%dma_wait3A_262] : memref<1048576xf32, #tpu.memory_space<hbm>> -> memref<64xf32, #tpu.memory_space<hbm>>
                %dma_wait3A_264 = arith.constant 0 : i32
                %dma_wait3A_265 = tpu.memref_slice %arg4[%dma_wait3A_264] : memref<1048576xf32, #tpu.memory_space<hbm>> -> memref<64xf32, #tpu.memory_space<hbm>>
                tpu.wait_dma2 semaphore(%arg16 : memref<!tpu.dma_semaphore, #tpu.memory_space<semaphore_mem>>) src(%dma_wait3A_265 : memref<64xf32, #tpu.memory_space<hbm>>) dst(%arg13 : memref<64xf32, #tpu.memory_space<vmem>>)
              }
              %while3A_258 = arith.constant 1 : i32
              scf.for %while3A_259 = %while3A_256 to %while3A_252 step %while3A_258  : i32 {
                %mul3A_260 = arith.muli %while3A_259, %while3A_248 : i32
                %add3A_261 = arith.addi %while3A_249, %mul3A_260 : i32
                %dma_wait3A_262 = arith.constant 0 : i32
                %dma_wait3A_263 = tpu.memref_slice %arg4[%dma_wait3A_262] : memref<1048576xf32, #tpu.memory_space<hbm>> -> memref<64xf32, #tpu.memory_space<hbm>>
                %dma_wait3A_264 = arith.constant 0 : i32
                %dma_wait3A_265 = tpu.memref_slice %arg4[%dma_wait3A_264] : memref<1048576xf32, #tpu.memory_space<hbm>> -> memref<64xf32, #tpu.memory_space<hbm>>
                tpu.wait_dma2 semaphore(%arg16 : memref<!tpu.dma_semaphore, #tpu.memory_space<semaphore_mem>>) src(%dma_wait3A_265 : memref<64xf32, #tpu.memory_space<hbm>>) dst(%arg13 : memref<64xf32, #tpu.memory_space<vmem>>)
              }
            } else {
            }
            %rem3A_193 = arith.constant 128 : i32
            %rem3A_194 = arith.remsi %while3A_157, %rem3A_193 : i32
            %mul3A_195 = arith.constant 64 : i32
            %mul3A_196 = arith.muli %rem3A_194, %mul3A_195 : i32
            %iota3A_197 = tpu.iota {dimensions = array<i32: 0>} : vector<16xi32>
            %add3A_198 = arith.constant 0 : i32
            %add3A_199 = vector.broadcast %add3A_198 : i32 to vector<16xi32>
            %add3A_200 = arith.addi %iota3A_197, %add3A_199 : vector<16xi32>
            %gather3A = tpu.vector_load_idx %arg9[%add3A_200, %broadcast_in_dim3A_187] : memref<64x640xf32, #tpu.memory_space<vmem>>[vector<16xi32>, vector<16xi32>], vector<16xf32>,
            %add3A_201 = arith.constant 0 : i32
            %add3A_202 = arith.addi %mul3A_196, %add3A_201 : i32
            %swap3A = arith.index_cast %add3A_202 : i32 to index
            %swap3A_203 = tpu.vector_load %arg12[%swap3A] {strides = array<i32>} : memref<8192xf32, #tpu.memory_space<vmem>>, vector<16xf32>,
            tpu.vector_store %arg12[%swap3A], %gather3A {strides = array<i32>} : memref<8192xf32, #tpu.memory_space<vmem>>, vector<16xf32>,
            %iota3A_204 = tpu.iota {dimensions = array<i32: 0>} : vector<16xi32>
            %add3A_205 = arith.constant 16 : i32
            %add3A_206 = vector.broadcast %add3A_205 : i32 to vector<16xi32>
            %add3A_207 = arith.addi %iota3A_204, %add3A_206 : vector<16xi32>
            %gather3A_208 = tpu.vector_load_idx %arg9[%add3A_207, %broadcast_in_dim3A_187] : memref<64x640xf32, #tpu.memory_space<vmem>>[vector<16xi32>, vector<16xi32>], vector<16xf32>,
            %add3A_209 = arith.constant 16 : i32
            %add3A_210 = arith.addi %mul3A_196, %add3A_209 : i32
            %swap3A_211 = arith.index_cast %add3A_210 : i32 to index
            %swap3A_212 = tpu.vector_load %arg12[%swap3A_211] {strides = array<i32>} : memref<8192xf32, #tpu.memory_space<vmem>>, vector<16xf32>,
            tpu.vector_store %arg12[%swap3A_211], %gather3A_208 {strides = array<i32>} : memref<8192xf32, #tpu.memory_space<vmem>>, vector<16xf32>,
            %iota3A_213 = tpu.iota {dimensions = array<i32: 0>} : vector<16xi32>
            %add3A_214 = arith.constant 32 : i32
            %add3A_215 = vector.broadcast %add3A_214 : i32 to vector<16xi32>
            %add3A_216 = arith.addi %iota3A_213, %add3A_215 : vector<16xi32>
            %gather3A_217 = tpu.vector_load_idx %arg9[%add3A_216, %broadcast_in_dim3A_187] : memref<64x640xf32, #tpu.memory_space<vmem>>[vector<16xi32>, vector<16xi32>], vector<16xf32>,
            %add3A_218 = arith.constant 32 : i32
            %add3A_219 = arith.addi %mul3A_196, %add3A_218 : i32
            %swap3A_220 = arith.index_cast %add3A_219 : i32 to index
            %swap3A_221 = tpu.vector_load %arg12[%swap3A_220] {strides = array<i32>} : memref<8192xf32, #tpu.memory_space<vmem>>, vector<16xf32>,
            tpu.vector_store %arg12[%swap3A_220], %gather3A_217 {strides = array<i32>} : memref<8192xf32, #tpu.memory_space<vmem>>, vector<16xf32>,
            %iota3A_222 = tpu.iota {dimensions = array<i32: 0>} : vector<16xi32>
            %add3A_223 = arith.constant 48 : i32
            %add3A_224 = vector.broadcast %add3A_223 : i32 to vector<16xi32>
            %add3A_225 = arith.addi %iota3A_222, %add3A_224 : vector<16xi32>
            %gather3A_226 = tpu.vector_load_idx %arg9[%add3A_225, %broadcast_in_dim3A_187] : memref<64x640xf32, #tpu.memory_space<vmem>>[vector<16xi32>, vector<16xi32>], vector<16xf32>,
            %add3A_227 = arith.constant 48 : i32
            %add3A_228 = arith.addi %mul3A_196, %add3A_227 : i32
            %swap3A_229 = arith.index_cast %add3A_228 : i32 to index
            %swap3A_230 = tpu.vector_load %arg12[%swap3A_229] {strides = array<i32>} : memref<8192xf32, #tpu.memory_space<vmem>>, vector<16xf32>,
            tpu.vector_store %arg12[%swap3A_229], %gather3A_226 {strides = array<i32>} : memref<8192xf32, #tpu.memory_space<vmem>>, vector<16xf32>,
            %mul3A_231 = arith.constant 64 : i32
            %mul3A_232 = arith.muli %reduce_max3A_185, %mul3A_231 : i32
            %dma_start3A_233 = tpu.memref_slice %arg12[%mul3A_196] : memref<8192xf32, #tpu.memory_space<vmem>> -> memref<64xf32, #tpu.memory_space<vmem>>
            %dma_start3A_234 = tpu.memref_slice %arg4[%mul3A_232] : memref<1048576xf32, #tpu.memory_space<hbm>> -> memref<64xf32, #tpu.memory_space<hbm>>
            %dma_start3A_235 = tpu.memref_slice %arg4[%mul3A_232] : memref<1048576xf32, #tpu.memory_space<hbm>> -> memref<64xf32, #tpu.memory_space<hbm>>
            %dma_start3A_236 = tpu.memref_slice %arg12[%mul3A_196] : memref<8192xf32, #tpu.memory_space<vmem>> -> memref<64xf32, #tpu.memory_space<vmem>>
            tpu.enqueue_dma source(%dma_start3A_236 : memref<64xf32, #tpu.memory_space<vmem>>) target(%dma_start3A_235 : memref<64xf32, #tpu.memory_space<hbm>>) target_semaphore(%arg16 : memref<!tpu.dma_semaphore, #tpu.memory_space<semaphore_mem>>)
            %add3A_237 = arith.constant 1 : i32
            %add3A_238 = arith.addi %rem3A_194, %add3A_237 : i32
            scf.yield %add3A_238 : i32
          }
          %while3A_154 = arith.constant 1 : i32
          %while3A_155 = scf.for %while3A_156 = %while3A_151 to %while3A_147 step %while3A_154 iter_args(%while3A_157 = %while3A_153) -> (i32)  : i32 {
            %mul3A_158 = arith.muli %while3A_156, %while3A_143 : i32
            %add3A_159 = arith.addi %while3A_144, %mul3A_158 : i32
            %get3A_160 = arith.constant 0 : index
            %get3A_161 = tpu.vector_load %arg11[%get3A_160] {strides = array<i32>} : memref<16xi32, #tpu.memory_space<vmem>>, vector<16xi32>,
            %get3A_162 = arith.constant 0 : index
            %get3A_163 = tpu.vector_load %arg10[%get3A_162] {strides = array<i32>} : memref<16xi32, #tpu.memory_space<vmem>>, vector<16xi32>,
            %iota3A_164 = tpu.iota {dimensions = array<i32: 0>} : vector<16xi32>
            %eq3A_165 = vector.broadcast %add3A_159 : i32 to vector<16xi32>
            %eq3A_166 = arith.cmpi eq, %iota3A_164, %eq3A_165 : vector<16xi32>
            %jit3A = arith.constant 0 : i32
            %broadcast_in_dim3A = vector.broadcast %jit3A : i32 to vector<16xi32>
            %select_n3A = arith.select %eq3A_166, %get3A_161, %broadcast_in_dim3A : vector<16xi1>, vector<16xi32>
            %reduce_max3A_167 = arith.constant true
            %reduce_max3A_168 = vector.broadcast %reduce_max3A_167 : i1 to vector<16xi1>
            %reduce_max3A_169 = arith.constant -2147483648 : i32
            %reduce_max3A_170 = vector.broadcast %reduce_max3A_169 : i32 to vector<16xi32>
            %reduce_max3A_171 = arith.xori %select_n3A, %reduce_max3A_170 : vector<16xi32>
            %reduce_max3A_172 = tpu.scan <max>, %reduce_max3A_171 masked %reduce_max3A_168 : vector<16xi32>, vector<16xi1> -> vector<16xi32>
            %reduce_max3A_173 = arith.xori %reduce_max3A_172, %reduce_max3A_170 : vector<16xi32>
            %reduce_max3A_174 = vector.extract %reduce_max3A_173[15] : i32 from vector<16xi32>
            %jit3A_175 = arith.constant 0 : i32
            %broadcast_in_dim3A_176 = vector.broadcast %jit3A_175 : i32 to vector<16xi32>
            %select_n3A_177 = arith.select %eq3A_166, %get3A_163, %broadcast_in_dim3A_176 : vector<16xi1>, vector<16xi32>
            %reduce_max3A_178 = arith.constant true
            %reduce_max3A_179 = vector.broadcast %reduce_max3A_178 : i1 to vector<16xi1>
            %reduce_max3A_180 = arith.constant -2147483648 : i32
            %reduce_max3A_181 = vector.broadcast %reduce_max3A_180 : i32 to vector<16xi32>
            %reduce_max3A_182 = arith.xori %select_n3A_177, %reduce_max3A_181 : vector<16xi32>
            %reduce_max3A_183 = tpu.scan <max>, %reduce_max3A_182 masked %reduce_max3A_179 : vector<16xi32>, vector<16xi1> -> vector<16xi32>
            %reduce_max3A_184 = arith.xori %reduce_max3A_183, %reduce_max3A_181 : vector<16xi32>
            %reduce_max3A_185 = vector.extract %reduce_max3A_184[15] : i32 from vector<16xi32>
            %sub3A_186 = arith.subi %reduce_max3A_174, %mul3A_43 : i32
            %broadcast_in_dim3A_187 = vector.broadcast %sub3A_186 : i32 to vector<16xi32>
            %ge3A_188 = arith.constant 128 : i32
            %ge3A_189 = arith.cmpi sge, %while3A_157, %ge3A_188 : i32
            %convert_element_type3A_190 = arith.extui %ge3A_189 : i1 to i32
            %cond3A_191 = arith.constant 0 : i32
            %cond3A_192 = arith.cmpi ne, %convert_element_type3A_190, %cond3A_191 : i32
            scf.if %cond3A_192 {
              %sub3A_239 = arith.constant 128 : i32
              %sub3A_240 = arith.constant 0 : i32
              %sub3A_241 = arith.subi %sub3A_239, %sub3A_240 : i32
              %sub3A_242 = arith.constant 1 : i32
              %sub3A_243 = arith.constant 1 : i32
              %sub3A_244 = arith.subi %sub3A_242, %sub3A_243 : i32
              %add3A_245 = arith.addi %sub3A_241, %sub3A_244 : i32
              %div3A_246 = arith.constant 1 : i32
              %div3A_247 = arith.divsi %add3A_245, %div3A_246 : i32
              %while3A_248 = arith.constant 1 : i32
              %while3A_249 = arith.constant 0 : i32
              %while3A_250 = arith.constant 0 : i32
              %while3A_251 = arith.subi %div3A_247, %while3A_250 : i32
              %while3A_252 = arith.addi %while3A_250, %while3A_251 : i32
              %while3A_253 = arith.constant 1 : i32
              %while3A_254 = arith.divsi %while3A_251, %while3A_253 : i32
              %while3A_255 = arith.muli %while3A_254, %while3A_253 : i32
              %while3A_256 = arith.addi %while3A_250, %while3A_255 : i32
              %while3A_257 = arith.constant 1 : i32
              scf.for %while3A_259 = %while3A_250 to %while3A_256 step %while3A_257  : i32 {
                %mul3A_260 = arith.muli %while3A_259, %while3A_248 : i32
                %add3A_261 = arith.addi %while3A_249, %mul3A_260 : i32
                %dma_wait3A_262 = arith.constant 0 : i32
                %dma_wait3A_263 = tpu.memref_slice %arg4[%dma_wait3A_262] : memref<1048576xf32, #tpu.memory_space<hbm>> -> memref<64xf32, #tpu.memory_space<hbm>>
                %dma_wait3A_264 = arith.constant 0 : i32
                %dma_wait3A_265 = tpu.memref_slice %arg4[%dma_wait3A_264] : memref<1048576xf32, #tpu.memory_space<hbm>> -> memref<64xf32, #tpu.memory_space<hbm>>
                tpu.wait_dma2 semaphore(%arg16 : memref<!tpu.dma_semaphore, #tpu.memory_space<semaphore_mem>>) src(%dma_wait3A_265 : memref<64xf32, #tpu.memory_space<hbm>>) dst(%arg13 : memref<64xf32, #tpu.memory_space<vmem>>)
              }
              %while3A_258 = arith.constant 1 : i32
              scf.for %while3A_259 = %while3A_256 to %while3A_252 step %while3A_258  : i32 {
                %mul3A_260 = arith.muli %while3A_259, %while3A_248 : i32
                %add3A_261 = arith.addi %while3A_249, %mul3A_260 : i32
                %dma_wait3A_262 = arith.constant 0 : i32
                %dma_wait3A_263 = tpu.memref_slice %arg4[%dma_wait3A_262] : memref<1048576xf32, #tpu.memory_space<hbm>> -> memref<64xf32, #tpu.memory_space<hbm>>
                %dma_wait3A_264 = arith.constant 0 : i32
                %dma_wait3A_265 = tpu.memref_slice %arg4[%dma_wait3A_264] : memref<1048576xf32, #tpu.memory_space<hbm>> -> memref<64xf32, #tpu.memory_space<hbm>>
                tpu.wait_dma2 semaphore(%arg16 : memref<!tpu.dma_semaphore, #tpu.memory_space<semaphore_mem>>) src(%dma_wait3A_265 : memref<64xf32, #tpu.memory_space<hbm>>) dst(%arg13 : memref<64xf32, #tpu.memory_space<vmem>>)
              }
            } else {
            }
            %rem3A_193 = arith.constant 128 : i32
            %rem3A_194 = arith.remsi %while3A_157, %rem3A_193 : i32
            %mul3A_195 = arith.constant 64 : i32
            %mul3A_196 = arith.muli %rem3A_194, %mul3A_195 : i32
            %iota3A_197 = tpu.iota {dimensions = array<i32: 0>} : vector<16xi32>
            %add3A_198 = arith.constant 0 : i32
            %add3A_199 = vector.broadcast %add3A_198 : i32 to vector<16xi32>
            %add3A_200 = arith.addi %iota3A_197, %add3A_199 : vector<16xi32>
            %gather3A = tpu.vector_load_idx %arg9[%add3A_200, %broadcast_in_dim3A_187] : memref<64x640xf32, #tpu.memory_space<vmem>>[vector<16xi32>, vector<16xi32>], vector<16xf32>,
            %add3A_201 = arith.constant 0 : i32
            %add3A_202 = arith.addi %mul3A_196, %add3A_201 : i32
            %swap3A = arith.index_cast %add3A_202 : i32 to index
            %swap3A_203 = tpu.vector_load %arg12[%swap3A] {strides = array<i32>} : memref<8192xf32, #tpu.memory_space<vmem>>, vector<16xf32>,
            tpu.vector_store %arg12[%swap3A], %gather3A {strides = array<i32>} : memref<8192xf32, #tpu.memory_space<vmem>>, vector<16xf32>,
            %iota3A_204 = tpu.iota {dimensions = array<i32: 0>} : vector<16xi32>
            %add3A_205 = arith.constant 16 : i32
            %add3A_206 = vector.broadcast %add3A_205 : i32 to vector<16xi32>
            %add3A_207 = arith.addi %iota3A_204, %add3A_206 : vector<16xi32>
            %gather3A_208 = tpu.vector_load_idx %arg9[%add3A_207, %broadcast_in_dim3A_187] : memref<64x640xf32, #tpu.memory_space<vmem>>[vector<16xi32>, vector<16xi32>], vector<16xf32>,
            %add3A_209 = arith.constant 16 : i32
            %add3A_210 = arith.addi %mul3A_196, %add3A_209 : i32
            %swap3A_211 = arith.index_cast %add3A_210 : i32 to index
            %swap3A_212 = tpu.vector_load %arg12[%swap3A_211] {strides = array<i32>} : memref<8192xf32, #tpu.memory_space<vmem>>, vector<16xf32>,
            tpu.vector_store %arg12[%swap3A_211], %gather3A_208 {strides = array<i32>} : memref<8192xf32, #tpu.memory_space<vmem>>, vector<16xf32>,
            %iota3A_213 = tpu.iota {dimensions = array<i32: 0>} : vector<16xi32>
            %add3A_214 = arith.constant 32 : i32
            %add3A_215 = vector.broadcast %add3A_214 : i32 to vector<16xi32>
            %add3A_216 = arith.addi %iota3A_213, %add3A_215 : vector<16xi32>
            %gather3A_217 = tpu.vector_load_idx %arg9[%add3A_216, %broadcast_in_dim3A_187] : memref<64x640xf32, #tpu.memory_space<vmem>>[vector<16xi32>, vector<16xi32>], vector<16xf32>,
            %add3A_218 = arith.constant 32 : i32
            %add3A_219 = arith.addi %mul3A_196, %add3A_218 : i32
            %swap3A_220 = arith.index_cast %add3A_219 : i32 to index
            %swap3A_221 = tpu.vector_load %arg12[%swap3A_220] {strides = array<i32>} : memref<8192xf32, #tpu.memory_space<vmem>>, vector<16xf32>,
            tpu.vector_store %arg12[%swap3A_220], %gather3A_217 {strides = array<i32>} : memref<8192xf32, #tpu.memory_space<vmem>>, vector<16xf32>,
            %iota3A_222 = tpu.iota {dimensions = array<i32: 0>} : vector<16xi32>
            %add3A_223 = arith.constant 48 : i32
            %add3A_224 = vector.broadcast %add3A_223 : i32 to vector<16xi32>
            %add3A_225 = arith.addi %iota3A_222, %add3A_224 : vector<16xi32>
            %gather3A_226 = tpu.vector_load_idx %arg9[%add3A_225, %broadcast_in_dim3A_187] : memref<64x640xf32, #tpu.memory_space<vmem>>[vector<16xi32>, vector<16xi32>], vector<16xf32>,
            %add3A_227 = arith.constant 48 : i32
            %add3A_228 = arith.addi %mul3A_196, %add3A_227 : i32
            %swap3A_229 = arith.index_cast %add3A_228 : i32 to index
            %swap3A_230 = tpu.vector_load %arg12[%swap3A_229] {strides = array<i32>} : memref<8192xf32, #tpu.memory_space<vmem>>, vector<16xf32>,
            tpu.vector_store %arg12[%swap3A_229], %gather3A_226 {strides = array<i32>} : memref<8192xf32, #tpu.memory_space<vmem>>, vector<16xf32>,
            %mul3A_231 = arith.constant 64 : i32
            %mul3A_232 = arith.muli %reduce_max3A_185, %mul3A_231 : i32
            %dma_start3A_233 = tpu.memref_slice %arg12[%mul3A_196] : memref<8192xf32, #tpu.memory_space<vmem>> -> memref<64xf32, #tpu.memory_space<vmem>>
            %dma_start3A_234 = tpu.memref_slice %arg4[%mul3A_232] : memref<1048576xf32, #tpu.memory_space<hbm>> -> memref<64xf32, #tpu.memory_space<hbm>>
            %dma_start3A_235 = tpu.memref_slice %arg4[%mul3A_232] : memref<1048576xf32, #tpu.memory_space<hbm>> -> memref<64xf32, #tpu.memory_space<hbm>>
            %dma_start3A_236 = tpu.memref_slice %arg12[%mul3A_196] : memref<8192xf32, #tpu.memory_space<vmem>> -> memref<64xf32, #tpu.memory_space<vmem>>
            tpu.enqueue_dma source(%dma_start3A_236 : memref<64xf32, #tpu.memory_space<vmem>>) target(%dma_start3A_235 : memref<64xf32, #tpu.memory_space<hbm>>) target_semaphore(%arg16 : memref<!tpu.dma_semaphore, #tpu.memory_space<semaphore_mem>>)
            %add3A_237 = arith.constant 1 : i32
            %add3A_238 = arith.addi %rem3A_194, %add3A_237 : i32
            scf.yield %add3A_238 : i32
          }
          scf.yield %while3A_155 : i32
        }
        %while3A_74 = arith.constant 1 : i32
        %while3A_75 = scf.for %while3A_95 = %while3A_71 to %while3A_67 step %while3A_74 iter_args(%while3A_96 = %while3A_73) -> (i32)  : i32 {
          %mul3A_97 = arith.muli %while3A_95, %while3A : i32
          %add3A_98 = arith.addi %while3A_63, %mul3A_97 : i32
          %mul3A_99 = arith.constant 16 : i32
          %mul3A_100 = arith.muli %add3A_98, %mul3A_99 : i32
          %get3A = arith.index_cast %mul3A_100 : i32 to index
          %get3A_101 = tpu.vector_load %arg7[%get3A] {strides = array<i32>} : memref<16400xi32, #tpu.memory_space<vmem>>, vector<16xi32>,
          %mul3A_102 = arith.constant 16 : i32
          %mul3A_103 = arith.muli %add3A_98, %mul3A_102 : i32
          %get3A_104 = arith.index_cast %mul3A_103 : i32 to index
          %get3A_105 = tpu.vector_load %arg6[%get3A_104] {strides = array<i32>} : memref<16400xi32, #tpu.memory_space<vmem>>, vector<16xi32>,
          %shift_right_logical3A = arith.constant 7 : i32
          %shift_right_logical3A_106 = vector.broadcast %shift_right_logical3A : i32 to vector<16xi32>
          %shift_right_logical3A_107 = arith.shrui %get3A_101, %shift_right_logical3A_106 : vector<16xi32>
          %mul3A_108 = arith.constant 16 : i32
          %mul3A_109 = arith.muli %add3A_98, %mul3A_108 : i32
          %iota3A = tpu.iota {dimensions = array<i32: 0>} : vector<16xi32>
          %add3A_110 = vector.broadcast %mul3A_109 : i32 to vector<16xi32>
          %add3A_111 = arith.addi %add3A_110, %iota3A : vector<16xi32>
          %lt3A_112 = vector.broadcast %scan3A_17 : i32 to vector<16xi32>
          %lt3A_113 = arith.cmpi slt, %add3A_111, %lt3A_112 : vector<16xi32>
          %shift_right_logical3A_114 = arith.constant 7 : i32
          %shift_right_logical3A_115 = arith.shrui %mul3A_43, %shift_right_logical3A_114 : i32
          %ge3A = vector.broadcast %shift_right_logical3A_115 : i32 to vector<16xi32>
          %ge3A_116 = arith.cmpi sge, %shift_right_logical3A_107, %ge3A : vector<16xi32>
          %shift_right_logical3A_117 = arith.constant 7 : i32
          %shift_right_logical3A_118 = arith.shrui %mul3A_43, %shift_right_logical3A_117 : i32
          %add3A_119 = arith.constant 5 : i32
          %add3A_120 = arith.addi %shift_right_logical3A_118, %add3A_119 : i32
          %lt3A_121 = vector.broadcast %add3A_120 : i32 to vector<16xi32>
          %lt3A_122 = arith.cmpi slt, %shift_right_logical3A_107, %lt3A_121 : vector<16xi32>
          %and3A = arith.andi %ge3A_116, %lt3A_122 : vector<16xi1>
          %and3A_123 = arith.andi %and3A, %lt3A_113 : vector<16xi1>
          %all_reduce_population_count3A = tpu.all_reduce %and3A_123 {dim = 0 : i64, kind = #tpu.reduction_kind<sum>} : vector<16xi1> -> vector<16xi32>
          %reduce_max3A = arith.constant true
          %reduce_max3A_124 = vector.broadcast %reduce_max3A : i1 to vector<16xi1>
          %reduce_max3A_125 = arith.constant -2147483648 : i32
          %reduce_max3A_126 = vector.broadcast %reduce_max3A_125 : i32 to vector<16xi32>
          %reduce_max3A_127 = arith.xori %all_reduce_population_count3A, %reduce_max3A_126 : vector<16xi32>
          %reduce_max3A_128 = tpu.scan <max>, %reduce_max3A_127 masked %reduce_max3A_124 : vector<16xi32>, vector<16xi1> -> vector<16xi32>
          %reduce_max3A_129 = arith.xori %reduce_max3A_128, %reduce_max3A_126 : vector<16xi32>
          %reduce_max3A_130 = vector.extract %reduce_max3A_129[15] : i32 from vector<16xi32>
          %gt3A = arith.constant 0 : i32
          %gt3A_131 = arith.cmpi sgt, %reduce_max3A_130, %gt3A : i32
          %convert_element_type3A_132 = arith.extui %gt3A_131 : i1 to i32
          %cond3A_133 = arith.constant 0 : i32
          %cond3A_134 = arith.cmpi ne, %convert_element_type3A_132, %cond3A_133 : i32
          scf.if %cond3A_134 {
            %swap3A = arith.constant 0 : index
            %swap3A_156 = tpu.vector_load %arg11[%swap3A] masked %and3A_123 {strides = array<i32>} : memref<16xi32, #tpu.memory_space<vmem>>, vector<16xi32>, vector<16xi1>
            tpu.vector_store %arg11[%swap3A], %get3A_101 masked %and3A_123 {strides = array<i32>} : memref<16xi32, #tpu.memory_space<vmem>>, vector<16xi32>, vector<16xi1>
            %swap3A_157 = arith.constant 0 : index
            %swap3A_158 = tpu.vector_load %arg10[%swap3A_157] masked %and3A_123 {strides = array<i32>} : memref<16xi32, #tpu.memory_space<vmem>>, vector<16xi32>, vector<16xi1>
            tpu.vector_store %arg10[%swap3A_157], %get3A_105 masked %and3A_123 {strides = array<i32>} : memref<16xi32, #tpu.memory_space<vmem>>, vector<16xi32>, vector<16xi1>
          } else {
          }
          %sub3A_135 = arith.constant 0 : i32
          %sub3A_136 = arith.subi %reduce_max3A_130, %sub3A_135 : i32
          %sub3A_137 = arith.constant 1 : i32
          %sub3A_138 = arith.constant 1 : i32
          %sub3A_139 = arith.subi %sub3A_137, %sub3A_138 : i32
          %add3A_140 = arith.addi %sub3A_136, %sub3A_139 : i32
          %div3A_141 = arith.constant 1 : i32
          %div3A_142 = arith.divsi %add3A_140, %div3A_141 : i32
          %while3A_143 = arith.constant 1 : i32
          %while3A_144 = arith.constant 0 : i32
          %while3A_145 = arith.constant 0 : i32
          %while3A_146 = arith.subi %div3A_142, %while3A_145 : i32
          %while3A_147 = arith.addi %while3A_145, %while3A_146 : i32
          %while3A_148 = arith.constant 1 : i32
          %while3A_149 = arith.divsi %while3A_146, %while3A_148 : i32
          %while3A_150 = arith.muli %while3A_149, %while3A_148 : i32
          %while3A_151 = arith.addi %while3A_145, %while3A_150 : i32
          %while3A_152 = arith.constant 1 : i32
          %while3A_153 = scf.for %while3A_156 = %while3A_145 to %while3A_151 step %while3A_152 iter_args(%while3A_157 = %while3A_96) -> (i32)  : i32 {
            %mul3A_158 = arith.muli %while3A_156, %while3A_143 : i32
            %add3A_159 = arith.addi %while3A_144, %mul3A_158 : i32
            %get3A_160 = arith.constant 0 : index
            %get3A_161 = tpu.vector_load %arg11[%get3A_160] {strides = array<i32>} : memref<16xi32, #tpu.memory_space<vmem>>, vector<16xi32>,
            %get3A_162 = arith.constant 0 : index
            %get3A_163 = tpu.vector_load %arg10[%get3A_162] {strides = array<i32>} : memref<16xi32, #tpu.memory_space<vmem>>, vector<16xi32>,
            %iota3A_164 = tpu.iota {dimensions = array<i32: 0>} : vector<16xi32>
            %eq3A_165 = vector.broadcast %add3A_159 : i32 to vector<16xi32>
            %eq3A_166 = arith.cmpi eq, %iota3A_164, %eq3A_165 : vector<16xi32>
            %jit3A = arith.constant 0 : i32
            %broadcast_in_dim3A = vector.broadcast %jit3A : i32 to vector<16xi32>
            %select_n3A = arith.select %eq3A_166, %get3A_161, %broadcast_in_dim3A : vector<16xi1>, vector<16xi32>
            %reduce_max3A_167 = arith.constant true
            %reduce_max3A_168 = vector.broadcast %reduce_max3A_167 : i1 to vector<16xi1>
            %reduce_max3A_169 = arith.constant -2147483648 : i32
            %reduce_max3A_170 = vector.broadcast %reduce_max3A_169 : i32 to vector<16xi32>
            %reduce_max3A_171 = arith.xori %select_n3A, %reduce_max3A_170 : vector<16xi32>
            %reduce_max3A_172 = tpu.scan <max>, %reduce_max3A_171 masked %reduce_max3A_168 : vector<16xi32>, vector<16xi1> -> vector<16xi32>
            %reduce_max3A_173 = arith.xori %reduce_max3A_172, %reduce_max3A_170 : vector<16xi32>
            %reduce_max3A_174 = vector.extract %reduce_max3A_173[15] : i32 from vector<16xi32>
            %jit3A_175 = arith.constant 0 : i32
            %broadcast_in_dim3A_176 = vector.broadcast %jit3A_175 : i32 to vector<16xi32>
            %select_n3A_177 = arith.select %eq3A_166, %get3A_163, %broadcast_in_dim3A_176 : vector<16xi1>, vector<16xi32>
            %reduce_max3A_178 = arith.constant true
            %reduce_max3A_179 = vector.broadcast %reduce_max3A_178 : i1 to vector<16xi1>
            %reduce_max3A_180 = arith.constant -2147483648 : i32
            %reduce_max3A_181 = vector.broadcast %reduce_max3A_180 : i32 to vector<16xi32>
            %reduce_max3A_182 = arith.xori %select_n3A_177, %reduce_max3A_181 : vector<16xi32>
            %reduce_max3A_183 = tpu.scan <max>, %reduce_max3A_182 masked %reduce_max3A_179 : vector<16xi32>, vector<16xi1> -> vector<16xi32>
            %reduce_max3A_184 = arith.xori %reduce_max3A_183, %reduce_max3A_181 : vector<16xi32>
            %reduce_max3A_185 = vector.extract %reduce_max3A_184[15] : i32 from vector<16xi32>
            %sub3A_186 = arith.subi %reduce_max3A_174, %mul3A_43 : i32
            %broadcast_in_dim3A_187 = vector.broadcast %sub3A_186 : i32 to vector<16xi32>
            %ge3A_188 = arith.constant 128 : i32
            %ge3A_189 = arith.cmpi sge, %while3A_157, %ge3A_188 : i32
            %convert_element_type3A_190 = arith.extui %ge3A_189 : i1 to i32
            %cond3A_191 = arith.constant 0 : i32
            %cond3A_192 = arith.cmpi ne, %convert_element_type3A_190, %cond3A_191 : i32
            scf.if %cond3A_192 {
              %sub3A_239 = arith.constant 128 : i32
              %sub3A_240 = arith.constant 0 : i32
              %sub3A_241 = arith.subi %sub3A_239, %sub3A_240 : i32
              %sub3A_242 = arith.constant 1 : i32
              %sub3A_243 = arith.constant 1 : i32
              %sub3A_244 = arith.subi %sub3A_242, %sub3A_243 : i32
              %add3A_245 = arith.addi %sub3A_241, %sub3A_244 : i32
              %div3A_246 = arith.constant 1 : i32
              %div3A_247 = arith.divsi %add3A_245, %div3A_246 : i32
              %while3A_248 = arith.constant 1 : i32
              %while3A_249 = arith.constant 0 : i32
              %while3A_250 = arith.constant 0 : i32
              %while3A_251 = arith.subi %div3A_247, %while3A_250 : i32
              %while3A_252 = arith.addi %while3A_250, %while3A_251 : i32
              %while3A_253 = arith.constant 1 : i32
              %while3A_254 = arith.divsi %while3A_251, %while3A_253 : i32
              %while3A_255 = arith.muli %while3A_254, %while3A_253 : i32
              %while3A_256 = arith.addi %while3A_250, %while3A_255 : i32
              %while3A_257 = arith.constant 1 : i32
              scf.for %while3A_259 = %while3A_250 to %while3A_256 step %while3A_257  : i32 {
                %mul3A_260 = arith.muli %while3A_259, %while3A_248 : i32
                %add3A_261 = arith.addi %while3A_249, %mul3A_260 : i32
                %dma_wait3A_262 = arith.constant 0 : i32
                %dma_wait3A_263 = tpu.memref_slice %arg4[%dma_wait3A_262] : memref<1048576xf32, #tpu.memory_space<hbm>> -> memref<64xf32, #tpu.memory_space<hbm>>
                %dma_wait3A_264 = arith.constant 0 : i32
                %dma_wait3A_265 = tpu.memref_slice %arg4[%dma_wait3A_264] : memref<1048576xf32, #tpu.memory_space<hbm>> -> memref<64xf32, #tpu.memory_space<hbm>>
                tpu.wait_dma2 semaphore(%arg16 : memref<!tpu.dma_semaphore, #tpu.memory_space<semaphore_mem>>) src(%dma_wait3A_265 : memref<64xf32, #tpu.memory_space<hbm>>) dst(%arg13 : memref<64xf32, #tpu.memory_space<vmem>>)
              }
              %while3A_258 = arith.constant 1 : i32
              scf.for %while3A_259 = %while3A_256 to %while3A_252 step %while3A_258  : i32 {
                %mul3A_260 = arith.muli %while3A_259, %while3A_248 : i32
                %add3A_261 = arith.addi %while3A_249, %mul3A_260 : i32
                %dma_wait3A_262 = arith.constant 0 : i32
                %dma_wait3A_263 = tpu.memref_slice %arg4[%dma_wait3A_262] : memref<1048576xf32, #tpu.memory_space<hbm>> -> memref<64xf32, #tpu.memory_space<hbm>>
                %dma_wait3A_264 = arith.constant 0 : i32
                %dma_wait3A_265 = tpu.memref_slice %arg4[%dma_wait3A_264] : memref<1048576xf32, #tpu.memory_space<hbm>> -> memref<64xf32, #tpu.memory_space<hbm>>
                tpu.wait_dma2 semaphore(%arg16 : memref<!tpu.dma_semaphore, #tpu.memory_space<semaphore_mem>>) src(%dma_wait3A_265 : memref<64xf32, #tpu.memory_space<hbm>>) dst(%arg13 : memref<64xf32, #tpu.memory_space<vmem>>)
              }
            } else {
            }
            %rem3A_193 = arith.constant 128 : i32
            %rem3A_194 = arith.remsi %while3A_157, %rem3A_193 : i32
            %mul3A_195 = arith.constant 64 : i32
            %mul3A_196 = arith.muli %rem3A_194, %mul3A_195 : i32
            %iota3A_197 = tpu.iota {dimensions = array<i32: 0>} : vector<16xi32>
            %add3A_198 = arith.constant 0 : i32
            %add3A_199 = vector.broadcast %add3A_198 : i32 to vector<16xi32>
            %add3A_200 = arith.addi %iota3A_197, %add3A_199 : vector<16xi32>
            %gather3A = tpu.vector_load_idx %arg9[%add3A_200, %broadcast_in_dim3A_187] : memref<64x640xf32, #tpu.memory_space<vmem>>[vector<16xi32>, vector<16xi32>], vector<16xf32>,
            %add3A_201 = arith.constant 0 : i32
            %add3A_202 = arith.addi %mul3A_196, %add3A_201 : i32
            %swap3A = arith.index_cast %add3A_202 : i32 to index
            %swap3A_203 = tpu.vector_load %arg12[%swap3A] {strides = array<i32>} : memref<8192xf32, #tpu.memory_space<vmem>>, vector<16xf32>,
            tpu.vector_store %arg12[%swap3A], %gather3A {strides = array<i32>} : memref<8192xf32, #tpu.memory_space<vmem>>, vector<16xf32>,
            %iota3A_204 = tpu.iota {dimensions = array<i32: 0>} : vector<16xi32>
            %add3A_205 = arith.constant 16 : i32
            %add3A_206 = vector.broadcast %add3A_205 : i32 to vector<16xi32>
            %add3A_207 = arith.addi %iota3A_204, %add3A_206 : vector<16xi32>
            %gather3A_208 = tpu.vector_load_idx %arg9[%add3A_207, %broadcast_in_dim3A_187] : memref<64x640xf32, #tpu.memory_space<vmem>>[vector<16xi32>, vector<16xi32>], vector<16xf32>,
            %add3A_209 = arith.constant 16 : i32
            %add3A_210 = arith.addi %mul3A_196, %add3A_209 : i32
            %swap3A_211 = arith.index_cast %add3A_210 : i32 to index
            %swap3A_212 = tpu.vector_load %arg12[%swap3A_211] {strides = array<i32>} : memref<8192xf32, #tpu.memory_space<vmem>>, vector<16xf32>,
            tpu.vector_store %arg12[%swap3A_211], %gather3A_208 {strides = array<i32>} : memref<8192xf32, #tpu.memory_space<vmem>>, vector<16xf32>,
            %iota3A_213 = tpu.iota {dimensions = array<i32: 0>} : vector<16xi32>
            %add3A_214 = arith.constant 32 : i32
            %add3A_215 = vector.broadcast %add3A_214 : i32 to vector<16xi32>
            %add3A_216 = arith.addi %iota3A_213, %add3A_215 : vector<16xi32>
            %gather3A_217 = tpu.vector_load_idx %arg9[%add3A_216, %broadcast_in_dim3A_187] : memref<64x640xf32, #tpu.memory_space<vmem>>[vector<16xi32>, vector<16xi32>], vector<16xf32>,
            %add3A_218 = arith.constant 32 : i32
            %add3A_219 = arith.addi %mul3A_196, %add3A_218 : i32
            %swap3A_220 = arith.index_cast %add3A_219 : i32 to index
            %swap3A_221 = tpu.vector_load %arg12[%swap3A_220] {strides = array<i32>} : memref<8192xf32, #tpu.memory_space<vmem>>, vector<16xf32>,
            tpu.vector_store %arg12[%swap3A_220], %gather3A_217 {strides = array<i32>} : memref<8192xf32, #tpu.memory_space<vmem>>, vector<16xf32>,
            %iota3A_222 = tpu.iota {dimensions = array<i32: 0>} : vector<16xi32>
            %add3A_223 = arith.constant 48 : i32
            %add3A_224 = vector.broadcast %add3A_223 : i32 to vector<16xi32>
            %add3A_225 = arith.addi %iota3A_222, %add3A_224 : vector<16xi32>
            %gather3A_226 = tpu.vector_load_idx %arg9[%add3A_225, %broadcast_in_dim3A_187] : memref<64x640xf32, #tpu.memory_space<vmem>>[vector<16xi32>, vector<16xi32>], vector<16xf32>,
            %add3A_227 = arith.constant 48 : i32
            %add3A_228 = arith.addi %mul3A_196, %add3A_227 : i32
            %swap3A_229 = arith.index_cast %add3A_228 : i32 to index
            %swap3A_230 = tpu.vector_load %arg12[%swap3A_229] {strides = array<i32>} : memref<8192xf32, #tpu.memory_space<vmem>>, vector<16xf32>,
            tpu.vector_store %arg12[%swap3A_229], %gather3A_226 {strides = array<i32>} : memref<8192xf32, #tpu.memory_space<vmem>>, vector<16xf32>,
            %mul3A_231 = arith.constant 64 : i32
            %mul3A_232 = arith.muli %reduce_max3A_185, %mul3A_231 : i32
            %dma_start3A_233 = tpu.memref_slice %arg12[%mul3A_196] : memref<8192xf32, #tpu.memory_space<vmem>> -> memref<64xf32, #tpu.memory_space<vmem>>
            %dma_start3A_234 = tpu.memref_slice %arg4[%mul3A_232] : memref<1048576xf32, #tpu.memory_space<hbm>> -> memref<64xf32, #tpu.memory_space<hbm>>
            %dma_start3A_235 = tpu.memref_slice %arg4[%mul3A_232] : memref<1048576xf32, #tpu.memory_space<hbm>> -> memref<64xf32, #tpu.memory_space<hbm>>
            %dma_start3A_236 = tpu.memref_slice %arg12[%mul3A_196] : memref<8192xf32, #tpu.memory_space<vmem>> -> memref<64xf32, #tpu.memory_space<vmem>>
            tpu.enqueue_dma source(%dma_start3A_236 : memref<64xf32, #tpu.memory_space<vmem>>) target(%dma_start3A_235 : memref<64xf32, #tpu.memory_space<hbm>>) target_semaphore(%arg16 : memref<!tpu.dma_semaphore, #tpu.memory_space<semaphore_mem>>)
            %add3A_237 = arith.constant 1 : i32
            %add3A_238 = arith.addi %rem3A_194, %add3A_237 : i32
            scf.yield %add3A_238 : i32
          }
          %while3A_154 = arith.constant 1 : i32
          %while3A_155 = scf.for %while3A_156 = %while3A_151 to %while3A_147 step %while3A_154 iter_args(%while3A_157 = %while3A_153) -> (i32)  : i32 {
            %mul3A_158 = arith.muli %while3A_156, %while3A_143 : i32
            %add3A_159 = arith.addi %while3A_144, %mul3A_158 : i32
            %get3A_160 = arith.constant 0 : index
            %get3A_161 = tpu.vector_load %arg11[%get3A_160] {strides = array<i32>} : memref<16xi32, #tpu.memory_space<vmem>>, vector<16xi32>,
            %get3A_162 = arith.constant 0 : index
            %get3A_163 = tpu.vector_load %arg10[%get3A_162] {strides = array<i32>} : memref<16xi32, #tpu.memory_space<vmem>>, vector<16xi32>,
            %iota3A_164 = tpu.iota {dimensions = array<i32: 0>} : vector<16xi32>
            %eq3A_165 = vector.broadcast %add3A_159 : i32 to vector<16xi32>
            %eq3A_166 = arith.cmpi eq, %iota3A_164, %eq3A_165 : vector<16xi32>
            %jit3A = arith.constant 0 : i32
            %broadcast_in_dim3A = vector.broadcast %jit3A : i32 to vector<16xi32>
            %select_n3A = arith.select %eq3A_166, %get3A_161, %broadcast_in_dim3A : vector<16xi1>, vector<16xi32>
            %reduce_max3A_167 = arith.constant true
            %reduce_max3A_168 = vector.broadcast %reduce_max3A_167 : i1 to vector<16xi1>
            %reduce_max3A_169 = arith.constant -2147483648 : i32
            %reduce_max3A_170 = vector.broadcast %reduce_max3A_169 : i32 to vector<16xi32>
            %reduce_max3A_171 = arith.xori %select_n3A, %reduce_max3A_170 : vector<16xi32>
            %reduce_max3A_172 = tpu.scan <max>, %reduce_max3A_171 masked %reduce_max3A_168 : vector<16xi32>, vector<16xi1> -> vector<16xi32>
            %reduce_max3A_173 = arith.xori %reduce_max3A_172, %reduce_max3A_170 : vector<16xi32>
            %reduce_max3A_174 = vector.extract %reduce_max3A_173[15] : i32 from vector<16xi32>
            %jit3A_175 = arith.constant 0 : i32
            %broadcast_in_dim3A_176 = vector.broadcast %jit3A_175 : i32 to vector<16xi32>
            %select_n3A_177 = arith.select %eq3A_166, %get3A_163, %broadcast_in_dim3A_176 : vector<16xi1>, vector<16xi32>
            %reduce_max3A_178 = arith.constant true
            %reduce_max3A_179 = vector.broadcast %reduce_max3A_178 : i1 to vector<16xi1>
            %reduce_max3A_180 = arith.constant -2147483648 : i32
            %reduce_max3A_181 = vector.broadcast %reduce_max3A_180 : i32 to vector<16xi32>
            %reduce_max3A_182 = arith.xori %select_n3A_177, %reduce_max3A_181 : vector<16xi32>
            %reduce_max3A_183 = tpu.scan <max>, %reduce_max3A_182 masked %reduce_max3A_179 : vector<16xi32>, vector<16xi1> -> vector<16xi32>
            %reduce_max3A_184 = arith.xori %reduce_max3A_183, %reduce_max3A_181 : vector<16xi32>
            %reduce_max3A_185 = vector.extract %reduce_max3A_184[15] : i32 from vector<16xi32>
            %sub3A_186 = arith.subi %reduce_max3A_174, %mul3A_43 : i32
            %broadcast_in_dim3A_187 = vector.broadcast %sub3A_186 : i32 to vector<16xi32>
            %ge3A_188 = arith.constant 128 : i32
            %ge3A_189 = arith.cmpi sge, %while3A_157, %ge3A_188 : i32
            %convert_element_type3A_190 = arith.extui %ge3A_189 : i1 to i32
            %cond3A_191 = arith.constant 0 : i32
            %cond3A_192 = arith.cmpi ne, %convert_element_type3A_190, %cond3A_191 : i32
            scf.if %cond3A_192 {
              %sub3A_239 = arith.constant 128 : i32
              %sub3A_240 = arith.constant 0 : i32
              %sub3A_241 = arith.subi %sub3A_239, %sub3A_240 : i32
              %sub3A_242 = arith.constant 1 : i32
              %sub3A_243 = arith.constant 1 : i32
              %sub3A_244 = arith.subi %sub3A_242, %sub3A_243 : i32
              %add3A_245 = arith.addi %sub3A_241, %sub3A_244 : i32
              %div3A_246 = arith.constant 1 : i32
              %div3A_247 = arith.divsi %add3A_245, %div3A_246 : i32
              %while3A_248 = arith.constant 1 : i32
              %while3A_249 = arith.constant 0 : i32
              %while3A_250 = arith.constant 0 : i32
              %while3A_251 = arith.subi %div3A_247, %while3A_250 : i32
              %while3A_252 = arith.addi %while3A_250, %while3A_251 : i32
              %while3A_253 = arith.constant 1 : i32
              %while3A_254 = arith.divsi %while3A_251, %while3A_253 : i32
              %while3A_255 = arith.muli %while3A_254, %while3A_253 : i32
              %while3A_256 = arith.addi %while3A_250, %while3A_255 : i32
              %while3A_257 = arith.constant 1 : i32
              scf.for %while3A_259 = %while3A_250 to %while3A_256 step %while3A_257  : i32 {
                %mul3A_260 = arith.muli %while3A_259, %while3A_248 : i32
                %add3A_261 = arith.addi %while3A_249, %mul3A_260 : i32
                %dma_wait3A_262 = arith.constant 0 : i32
                %dma_wait3A_263 = tpu.memref_slice %arg4[%dma_wait3A_262] : memref<1048576xf32, #tpu.memory_space<hbm>> -> memref<64xf32, #tpu.memory_space<hbm>>
                %dma_wait3A_264 = arith.constant 0 : i32
                %dma_wait3A_265 = tpu.memref_slice %arg4[%dma_wait3A_264] : memref<1048576xf32, #tpu.memory_space<hbm>> -> memref<64xf32, #tpu.memory_space<hbm>>
                tpu.wait_dma2 semaphore(%arg16 : memref<!tpu.dma_semaphore, #tpu.memory_space<semaphore_mem>>) src(%dma_wait3A_265 : memref<64xf32, #tpu.memory_space<hbm>>) dst(%arg13 : memref<64xf32, #tpu.memory_space<vmem>>)
              }
              %while3A_258 = arith.constant 1 : i32
              scf.for %while3A_259 = %while3A_256 to %while3A_252 step %while3A_258  : i32 {
                %mul3A_260 = arith.muli %while3A_259, %while3A_248 : i32
                %add3A_261 = arith.addi %while3A_249, %mul3A_260 : i32
                %dma_wait3A_262 = arith.constant 0 : i32
                %dma_wait3A_263 = tpu.memref_slice %arg4[%dma_wait3A_262] : memref<1048576xf32, #tpu.memory_space<hbm>> -> memref<64xf32, #tpu.memory_space<hbm>>
                %dma_wait3A_264 = arith.constant 0 : i32
                %dma_wait3A_265 = tpu.memref_slice %arg4[%dma_wait3A_264] : memref<1048576xf32, #tpu.memory_space<hbm>> -> memref<64xf32, #tpu.memory_space<hbm>>
                tpu.wait_dma2 semaphore(%arg16 : memref<!tpu.dma_semaphore, #tpu.memory_space<semaphore_mem>>) src(%dma_wait3A_265 : memref<64xf32, #tpu.memory_space<hbm>>) dst(%arg13 : memref<64xf32, #tpu.memory_space<vmem>>)
              }
            } else {
            }
            %rem3A_193 = arith.constant 128 : i32
            %rem3A_194 = arith.remsi %while3A_157, %rem3A_193 : i32
            %mul3A_195 = arith.constant 64 : i32
            %mul3A_196 = arith.muli %rem3A_194, %mul3A_195 : i32
            %iota3A_197 = tpu.iota {dimensions = array<i32: 0>} : vector<16xi32>
            %add3A_198 = arith.constant 0 : i32
            %add3A_199 = vector.broadcast %add3A_198 : i32 to vector<16xi32>
            %add3A_200 = arith.addi %iota3A_197, %add3A_199 : vector<16xi32>
            %gather3A = tpu.vector_load_idx %arg9[%add3A_200, %broadcast_in_dim3A_187] : memref<64x640xf32, #tpu.memory_space<vmem>>[vector<16xi32>, vector<16xi32>], vector<16xf32>,
            %add3A_201 = arith.constant 0 : i32
            %add3A_202 = arith.addi %mul3A_196, %add3A_201 : i32
            %swap3A = arith.index_cast %add3A_202 : i32 to index
            %swap3A_203 = tpu.vector_load %arg12[%swap3A] {strides = array<i32>} : memref<8192xf32, #tpu.memory_space<vmem>>, vector<16xf32>,
            tpu.vector_store %arg12[%swap3A], %gather3A {strides = array<i32>} : memref<8192xf32, #tpu.memory_space<vmem>>, vector<16xf32>,
            %iota3A_204 = tpu.iota {dimensions = array<i32: 0>} : vector<16xi32>
            %add3A_205 = arith.constant 16 : i32
            %add3A_206 = vector.broadcast %add3A_205 : i32 to vector<16xi32>
            %add3A_207 = arith.addi %iota3A_204, %add3A_206 : vector<16xi32>
            %gather3A_208 = tpu.vector_load_idx %arg9[%add3A_207, %broadcast_in_dim3A_187] : memref<64x640xf32, #tpu.memory_space<vmem>>[vector<16xi32>, vector<16xi32>], vector<16xf32>,
            %add3A_209 = arith.constant 16 : i32
            %add3A_210 = arith.addi %mul3A_196, %add3A_209 : i32
            %swap3A_211 = arith.index_cast %add3A_210 : i32 to index
            %swap3A_212 = tpu.vector_load %arg12[%swap3A_211] {strides = array<i32>} : memref<8192xf32, #tpu.memory_space<vmem>>, vector<16xf32>,
            tpu.vector_store %arg12[%swap3A_211], %gather3A_208 {strides = array<i32>} : memref<8192xf32, #tpu.memory_space<vmem>>, vector<16xf32>,
            %iota3A_213 = tpu.iota {dimensions = array<i32: 0>} : vector<16xi32>
            %add3A_214 = arith.constant 32 : i32
            %add3A_215 = vector.broadcast %add3A_214 : i32 to vector<16xi32>
            %add3A_216 = arith.addi %iota3A_213, %add3A_215 : vector<16xi32>
            %gather3A_217 = tpu.vector_load_idx %arg9[%add3A_216, %broadcast_in_dim3A_187] : memref<64x640xf32, #tpu.memory_space<vmem>>[vector<16xi32>, vector<16xi32>], vector<16xf32>,
            %add3A_218 = arith.constant 32 : i32
            %add3A_219 = arith.addi %mul3A_196, %add3A_218 : i32
            %swap3A_220 = arith.index_cast %add3A_219 : i32 to index
            %swap3A_221 = tpu.vector_load %arg12[%swap3A_220] {strides = array<i32>} : memref<8192xf32, #tpu.memory_space<vmem>>, vector<16xf32>,
            tpu.vector_store %arg12[%swap3A_220], %gather3A_217 {strides = array<i32>} : memref<8192xf32, #tpu.memory_space<vmem>>, vector<16xf32>,
            %iota3A_222 = tpu.iota {dimensions = array<i32: 0>} : vector<16xi32>
            %add3A_223 = arith.constant 48 : i32
            %add3A_224 = vector.broadcast %add3A_223 : i32 to vector<16xi32>
            %add3A_225 = arith.addi %iota3A_222, %add3A_224 : vector<16xi32>
            %gather3A_226 = tpu.vector_load_idx %arg9[%add3A_225, %broadcast_in_dim3A_187] : memref<64x640xf32, #tpu.memory_space<vmem>>[vector<16xi32>, vector<16xi32>], vector<16xf32>,
            %add3A_227 = arith.constant 48 : i32
            %add3A_228 = arith.addi %mul3A_196, %add3A_227 : i32
            %swap3A_229 = arith.index_cast %add3A_228 : i32 to index
            %swap3A_230 = tpu.vector_load %arg12[%swap3A_229] {strides = array<i32>} : memref<8192xf32, #tpu.memory_space<vmem>>, vector<16xf32>,
            tpu.vector_store %arg12[%swap3A_229], %gather3A_226 {strides = array<i32>} : memref<8192xf32, #tpu.memory_space<vmem>>, vector<16xf32>,
            %mul3A_231 = arith.constant 64 : i32
            %mul3A_232 = arith.muli %reduce_max3A_185, %mul3A_231 : i32
            %dma_start3A_233 = tpu.memref_slice %arg12[%mul3A_196] : memref<8192xf32, #tpu.memory_space<vmem>> -> memref<64xf32, #tpu.memory_space<vmem>>
            %dma_start3A_234 = tpu.memref_slice %arg4[%mul3A_232] : memref<1048576xf32, #tpu.memory_space<hbm>> -> memref<64xf32, #tpu.memory_space<hbm>>
            %dma_start3A_235 = tpu.memref_slice %arg4[%mul3A_232] : memref<1048576xf32, #tpu.memory_space<hbm>> -> memref<64xf32, #tpu.memory_space<hbm>>
            %dma_start3A_236 = tpu.memref_slice %arg12[%mul3A_196] : memref<8192xf32, #tpu.memory_space<vmem>> -> memref<64xf32, #tpu.memory_space<vmem>>
            tpu.enqueue_dma source(%dma_start3A_236 : memref<64xf32, #tpu.memory_space<vmem>>) target(%dma_start3A_235 : memref<64xf32, #tpu.memory_space<hbm>>) target_semaphore(%arg16 : memref<!tpu.dma_semaphore, #tpu.memory_space<semaphore_mem>>)
            %add3A_237 = arith.constant 1 : i32
            %add3A_238 = arith.addi %rem3A_194, %add3A_237 : i32
            scf.yield %add3A_238 : i32
          }
          scf.yield %while3A_155 : i32
        }
        %sub3A_76 = arith.constant 0 : i32
        %sub3A_77 = arith.subi %while3A_75, %sub3A_76 : i32
        %sub3A_78 = arith.constant 1 : i32
        %sub3A_79 = arith.constant 1 : i32
        %sub3A_80 = arith.subi %sub3A_78, %sub3A_79 : i32
        %add3A_81 = arith.addi %sub3A_77, %sub3A_80 : i32
        %div3A_82 = arith.constant 1 : i32
        %div3A_83 = arith.divsi %add3A_81, %div3A_82 : i32
        %while3A_84 = arith.constant 1 : i32
        %while3A_85 = arith.constant 0 : i32
        %while3A_86 = arith.constant 0 : i32
        %while3A_87 = arith.subi %div3A_83, %while3A_86 : i32
        %while3A_88 = arith.addi %while3A_86, %while3A_87 : i32
        %while3A_89 = arith.constant 1 : i32
        %while3A_90 = arith.divsi %while3A_87, %while3A_89 : i32
        %while3A_91 = arith.muli %while3A_90, %while3A_89 : i32
        %while3A_92 = arith.addi %while3A_86, %while3A_91 : i32
        %while3A_93 = arith.constant 1 : i32
        scf.for %while3A_95 = %while3A_86 to %while3A_92 step %while3A_93  : i32 {
          %mul3A_96 = arith.muli %while3A_95, %while3A_84 : i32
          %add3A_97 = arith.addi %while3A_85, %mul3A_96 : i32
          %dma_wait3A_98 = arith.constant 0 : i32
          %dma_wait3A_99 = tpu.memref_slice %arg4[%dma_wait3A_98] : memref<1048576xf32, #tpu.memory_space<hbm>> -> memref<64xf32, #tpu.memory_space<hbm>>
          %dma_wait3A_100 = arith.constant 0 : i32
          %dma_wait3A_101 = tpu.memref_slice %arg4[%dma_wait3A_100] : memref<1048576xf32, #tpu.memory_space<hbm>> -> memref<64xf32, #tpu.memory_space<hbm>>
          tpu.wait_dma2 semaphore(%arg16 : memref<!tpu.dma_semaphore, #tpu.memory_space<semaphore_mem>>) src(%dma_wait3A_101 : memref<64xf32, #tpu.memory_space<hbm>>) dst(%arg13 : memref<64xf32, #tpu.memory_space<vmem>>)
        }
        %while3A_94 = arith.constant 1 : i32
        scf.for %while3A_95 = %while3A_92 to %while3A_88 step %while3A_94  : i32 {
          %mul3A_96 = arith.muli %while3A_95, %while3A_84 : i32
          %add3A_97 = arith.addi %while3A_85, %mul3A_96 : i32
          %dma_wait3A_98 = arith.constant 0 : i32
          %dma_wait3A_99 = tpu.memref_slice %arg4[%dma_wait3A_98] : memref<1048576xf32, #tpu.memory_space<hbm>> -> memref<64xf32, #tpu.memory_space<hbm>>
          %dma_wait3A_100 = arith.constant 0 : i32
          %dma_wait3A_101 = tpu.memref_slice %arg4[%dma_wait3A_100] : memref<1048576xf32, #tpu.memory_space<hbm>> -> memref<64xf32, #tpu.memory_space<hbm>>
          tpu.wait_dma2 semaphore(%arg16 : memref<!tpu.dma_semaphore, #tpu.memory_space<semaphore_mem>>) src(%dma_wait3A_101 : memref<64xf32, #tpu.memory_space<hbm>>) dst(%arg13 : memref<64xf32, #tpu.memory_space<vmem>>)
        }
      } else {
      }
    }
    %scan3A_26 = arith.constant 49 : i32
    return
  }
}

</mosaic_0001>

<sc_bundles>
// kernel: kernel.3.cloned.1.call-start
scs
__scs_entry_jumppad:
0x0: {  	(pc) =	sbr.rel $0x88, $3  }
0x1: {  	(tag) =	ssettag $0x0;
	lr =	simm.s32 $0x1  }
0x2: {  	[smem:$0x3F9F] =	sst lr;
	_ =	strace $0xD0000000  }
0x3: {  	_ = 	snop  }
0x4: {  	_ = 	snop  }
0x5: {  	_ = 	snop  }
0x6: {  	_ = 	snop  }
0x7: {  	_ = 	snop  }
__scs_overlays_trampoline_lowered:
0x8: {  	[smem:$0x3FAE] =	sst s0  }
0x9: {  	[smem:$0x3FAF] =	sst s1  }
0xa: {  	[smem:$0x3FB0] =	sst s2  }
0xb: {  	[smem:$0x3FB1] =	sst s3  }
0xc: {  	[smem:$0x3FB2] =	sst s4  }
0xd: {  	[smem:$0x3FB3] =	sst s5  }
0xe: {  	[smem:$0x3FB4] =	sst s6  }
0xf: {  	[smem:$0x3FB5] =	sst s7  }
0x10: {  	[smem:$0x3FB6] =	sst s8  }
0x11: {  	[smem:$0x3FB7] =	sst s9;
	s0 =	simm.s32 @!p0 $0x0  }
0x12: {  	s1 =	sld [smem:$0x3F9D];
	s0 =	simm.s32 @p0 $0x1  }
0x13: {  	[smem:$0x3FB8] =	sst s0;
	s0 =	simm.s32 @!p1 $0x0  }
0x14: {  	s2 =	sld [smem:$0x3F9C];
	s0 =	simm.s32 @p1 $0x1  }
0x15: {  	[smem:$0x3FB9] =	sst s0;
	s0 =	simm.s32 @!p2 $0x0  }
0x16: {  	s3 =	sld [smem:$0x3FDB];
	s0 =	simm.s32 @p2 $0x1  }
0x17: {  	s4 =	simm.s32 $0x1BF5;
	[smem:$0x3FBB] =	sst s0  }
0x18: {  	s0 =	sld [smem:$0x3F9E];
	_ =	swait.ge [sflag:s4], $0x0  }
0x19: {  	s7 =	sld [smem:$0x3F9F]  }
0x1a: {  	s8 =	sadd.s32 $0xFFFFE003, lr  }
0x1b: {  	s9 =	sadd.s32 $0xFFFFFEF7, lr;
	s5 =	simm.s32 $0xFFFFFFFF;
	p2 =	slt.u32 s8, $0xFFFFF086  }
0x1c: {  	p1 =	slt.u32 s9, $0xF7A;
	s5 =	simm.s32 @!p2 $0x0  }
0x1d: {  	s5 =	simm.s32 @p1 $0x1;
	p0 =	seq.s32 s7, s2  }
0x1e: {  	s7 =	smul.u32 @!p0 $0xF7A, s2;
	p2 =	seq.s32 @!p0 s5, $0x0  }
0x1f: {  	s9 =	smul.u32 $0xF7A, s1;
	s8 =	simm.s32 @!p0 $0x1BF5;
	p2 =	por !p2, p0  }
0x20: {  	[sflag:s8] =	ssyncset.s32 @!p0 $0xFFFFF086;
	s6 =	sadd.s32 @!p0 s3, s7;
	s7 =	simm.s32 @!p0 $0x108  }
0x21: {  	s3 =	sadd.s32 s3, s9;
	s6 =	sadd.s32 @!p0 $0x88, s6;
	s7 =	simm.s32 @p2 $0x1082  }
0x22: {  	[simem:s7], [sflag:s8] =	dma.local @!p0 [hbm:s6], $0xF7A  }
0x23: {  	s9 =	sor.u32 $0xD0000000, s2;
	s6 =	simm.s32 $0x108;
	_ =	swait.ge @!p0 [sflag:s8], $0x0  }
0x24: {  	s3 =	sadd.s32 $0x88, s3;
	s6 =	simm.s32 @!p1 $0x1082;
	[sflag:s4] =	ssyncset.s32 $0xFFFFF086  }
0x25: {  	[simem:s6], [sflag:s4] =	dma.local [hbm:s3], $0xF7A  }
0x26: {  	[smem:$0x3F9F] =	sst s1;
	(tag) =	ssettag s2;
	_ =	strace s9  }
0x27: {  	s1 =	sld [smem:$0x3FAF]  }
0x28: {  	s2 =	sld [smem:$0x3FB0]  }
0x29: {  	s4 =	sld [smem:$0x3FB2]  }
0x2a: {  	p0 =	seq.s32 s5, $0x0;
	s5 =	sld [smem:$0x3FB3]  }
0x2b: {  	s6 =	sld [smem:$0x3FB4]  }
0x2c: {  	s7 =	sld [smem:$0x3FB5]  }
0x2d: {  	s3 =	simm.s32 $0x108;
	s8 =	sld [smem:$0x3FB6]  }
0x2e: {  	s3 =	simm.s32 @!p0 $0x1082;
	s9 =	sld [smem:$0x3FB7]  }
0x2f: {  	lr =	sadd.s32 s0, s3;
	s0 =	sld [smem:$0x3FAE]  }
0x30: {  	s3 =	sld [smem:$0x3FB1]  }
0x31: {  	[smem:$0x3FBA] =	sst s10  }
0x32: {  	s10 =	sld [smem:$0x3FB8];
	_ =	sdelay $0x3  }
0x33: {  	p0 =	seq.s32 s10, $0x1;
	s10 =	sld [smem:$0x3FBA];
	_ =	sdelay $0x3  }
0x34: {  	[smem:$0x3FBA] =	sst s10  }
0x35: {  	s10 =	sld [smem:$0x3FB9];
	_ =	sdelay $0x3  }
0x36: {  	p1 =	seq.s32 s10, $0x1;
	s10 =	sld [smem:$0x3FBA];
	_ =	sdelay $0x3  }
0x37: {  	[smem:$0x3FBA] =	sst s10  }
0x38: {  	s10 =	sld [smem:$0x3FBB]  }
0x39: {  	_ = 	snop;
	(pc) =	sbr.ind lr, $3  }
0x3a: {  	_ = 	snop  }
0x3b: {  	_ = 	snop  }
0x3c: {  	p2 =	seq.s32 s10, $0x1;
	s10 =	sld [smem:$0x3FBA]  }
0x3d: {  	_ =	shalt  }
0x3e: {  	_ =	shalt  }
0x3f: {  	_ =	shalt  }
0x40: {  	_ =	shalt  }
0x41: {  	_ =	shalt  }
0x42: {  	_ =	shalt  }
0x43: {  	_ =	shalt  }
0x44: {  	_ =	shalt  }
0x45: {  	_ =	shalt  }
0x46: {  	_ =	shalt  }
0x47: {  	_ =	shalt  }
0x48: {  	_ =	shalt  }
0x49: {  	_ =	shalt  }
0x4a: {  	_ =	shalt  }
0x4b: {  	_ =	shalt  }
0x4c: {  	_ =	shalt  }
0x4d: {  	_ =	shalt  }
0x4e: {  	_ =	shalt  }
0x4f: {  	_ =	shalt  }
0x50: {  	_ =	shalt  }
0x51: {  	_ =	shalt  }
0x52: {  	_ =	shalt  }
0x53: {  	_ =	shalt  }
0x54: {  	_ =	shalt  }
0x55: {  	_ =	shalt  }
0x56: {  	_ =	shalt  }
0x57: {  	_ =	shalt  }
0x58: {  	_ =	shalt  }
0x59: {  	_ =	shalt  }
0x5a: {  	_ =	shalt  }
0x5b: {  	_ =	shalt  }
0x5c: {  	_ =	shalt  }
0x5d: {  	_ =	shalt  }
0x5e: {  	_ =	shalt  }
0x5f: {  	_ =	shalt  }
0x60: {  	_ =	shalt  }
0x61: {  	_ =	shalt  }
0x62: {  	_ =	shalt  }
0x63: {  	_ =	shalt  }
0x64: {  	_ =	shalt  }
0x65: {  	_ =	shalt  }
0x66: {  	_ =	shalt  }
0x67: {  	_ =	shalt  }
0x68: {  	_ =	shalt  }
0x69: {  	_ =	shalt  }
0x6a: {  	_ =	shalt  }
0x6b: {  	_ =	shalt  }
0x6c: {  	_ =	shalt  }
0x6d: {  	_ =	shalt  }
0x6e: {  	_ =	shalt  }
0x6f: {  	_ =	shalt  }
0x70: {  	_ =	shalt  }
0x71: {  	_ =	shalt  }
0x72: {  	_ =	shalt  }
0x73: {  	_ =	shalt  }
0x74: {  	_ =	shalt  }
0x75: {  	_ =	shalt  }
0x76: {  	_ =	shalt  }
0x77: {  	_ =	shalt  }
0x78: {  	_ =	shalt  }
0x79: {  	_ =	shalt  }
0x7a: {  	_ =	shalt  }
0x7b: {  	_ =	shalt  }
0x7c: {  	_ =	shalt  }
0x7d: {  	_ =	shalt  }
0x7e: {  	_ =	shalt  }
0x7f: {  	_ =	shalt  }
0x80: {  	_ =	shalt  }
0x81: {  	_ =	shalt  }
0x82: {  	_ =	shalt  }
0x83: {  	_ =	shalt  }
0x84: {  	_ =	shalt  }
0x85: {  	_ =	shalt  }
0x86: {  	_ =	shalt  }
0x87: {  	_ =	shalt  }
.Lfunc_end0:
.L_simem_size_0:
called_computation_lowered:
.L_overlay_start_0:
0x88: {  	s2 =	sld [smem:$0x3FD9]  }
0x89: {  	s3 =	sld [smem:$0x3FFE];
	_ =	sdelay $0x1  }
0x8a: {  	s1 =	srdreg.scid  }
0x8b: {  	s0 =	sand.u32 $0x1, s1  }
0x8c: {  	s18 =	sshll.u32 s0, $0xA;
	s2 =	sadd.s32 s3, s2  }
0x8d: {  	s2 =	sadd.s32 s2, s18  }
0x8e: {  	[smem:$0x3FC6] =	sst s2  }
0x8f: {  	_ = 	snop  }
0x90: {  	s2 =	sld [smem:$0x3FC9]  }
0x91: {  	s19 =	sld [smem:$0x3FC8]  }
0x92: {  	s4 =	sld [smem:$0x3FD0];
	(tm) =	ssettm $0x1  }
0x93: {  	s5 =	sld [smem:$0x3FFB];
	_ =	sdelay $0x3  }
0x94: {  	_ =	strace s5  }
0x95: {  	s5 =	sld [smem:$0x3FFC];
	_ =	sdelay $0x3  }
0x96: {  	_ =	strace s5  }
0x97: {  	s5 =	sld [smem:$0x3FFD];
	_ =	sdelay $0x3  }
0x98: {  	_ =	strace s5  }
0x99: {  	_ =	strace $0x8FFFFFFF  }
0x9a: {  	s20 =	sld [smem:$0x3FDB];
	_ =	sdelay $0x1  }
0x9b: {  	s6 =	simm.s32 $_scs_section_size  }
0x9c: {  	s7 =	simm.s32 $_size__tile_overlayer_lowered;
	s8 =	simm.s32 $_tile_overlayer_lowered  }
0x9d: {  	s23 =	simm.s32 $0x1BFF;
	s22 =	sshll.u32 s8, $0x1;
	s5 =	sadd.s32 s6, s20  }
0x9e: {  	s9 =	simm.s32 $0x0;
	s21 =	sshll.u32 s7, $0x1;
	s7 =	sadd.s32 s22, s5  }
0x9f: {  	[timem:s9], [sflag:s23] =	dma.local [hbm:s7], s21  }
0xa0: {  	_ =	swait.ge [sflag:s23], s21  }
0xa1: {  	s6 =	ssub.s32 $0x0, s21;
	[sflag:s23] =	ssyncset.done $0x0  }
0xa2: {  	[sflag:s23] =	ssyncadd.s32 s6;
	_ =	sdelay $0x1  }
0xa3: {  	s24 =	simm.s32 $0x1B8B  }
0xa4: {  	_ =	swait.ge [sflag:s24], $0x1  }
0xa5: {  	[sflag:s24] =	ssyncset.done $0x0  }
0xa6: {  	s25 =	simm.s32 $0x1B8E;
	[sflag:s24] =	ssyncadd.s32 $0xFFFFFFFF  }
0xa7: {  	s26 =	simm.s32 $execute0_lowered;
	[smem:$0x3FD2] =	sst s25  }
0xa8: {  	s6 =	sshll.u32 s26, $0x1;
	_ =	strace $0x80000046;
	[dreg:$0x1] =	wrdreg $0xFFFFFFFF  }
0xa9: {  	s28 =	simm.s32 $_size_execute0_lowered;
	s5 =	sadd.s32 s5, s6;
	[dreg:$0x0] =	wrdreg $0x0  }
0xaa: {  	s6 =	sshll.u32 s28, $0x1;
	[dreg:$0x2] =	wrdreg s5  }
0xab: {  	[dreg:$0x3] =	wrdreg s6  }
0xac: {  	[dreg:$0x4] =	wrdreg $0xC0  }
0xad: {  	_ =	task [dreg:s9], $0x5FFFF  }
0xae: {  	[dreg:$0x1] =	wrdreg $0xFFFFFFFF  }
0xaf: {  	[dreg:$0x0] =	wrdreg $0x60  }
0xb0: {  	[dreg:$0x2] =	wrdreg s2  }
0xb1: {  	[dreg:$0x3] =	wrdreg s19  }
0xb2: {  	[dreg:$0x4] =	wrdreg s4  }
0xb3: {  	[dreg:$0x5] =	wrdreg $0x9  }
0xb4: {  	_ =	task.clear_ibuf [dreg:s9], $0x6FFFF;
	_ =	strace $0x90000046  }
0xb5: {  	s29 =	simm.s32 $0x9;
	_ =	strace $0x80000048  }
0xb6: {  	_ =	swait.ge [sflag:s29], $0x1  }
0xb7: {  	[sflag:s29] =	ssyncadd.s32 $0xFFFFFFFF  }
0xb8: {  	_ =	strace $0x90000048  }
0xb9: {  	_ =	sfence  }
0xba: {  	s30 =	sld [smem:$0x0];
	_ =	sdelay $0x2  }
0xbb: {  	s31 =	sshll.u32 s1, $0xD;
	s1 =	sshrl.u32 s1, $0x2  }
0xbc: {  	s3 =	sand.u32 $0x4000, s31;
	s1 =	sadd.s32 s1, s30  }
0xbd: {  	s0 =	sor.u32 s3, s0;
	s1 =	sshll.u32 s1, $0x11  }
0xbe: {  	s0 =	sor.u32 s1, s0  }
0xbf: {  	s0 =	sadd.s32 $0x8F2B, s0  }
0xc0: {  	[sflag:s0] =	ssyncadd.remote.s32 $0x1  }
0xc1: {  	_ =	sfence.sel $0xFFFF  }
0xc2: {  	[dreg:$0x0] =	wrdreg $0xFFFFFFFF;
	(pc) =	sbr.abs _section_cstart, $3  }
0xc3: {  	[dreg:$0x1] =	wrdreg $0xFFFFFFFF  }
0xc4: {  	_ =	task.clear_ibuf [dreg:s9], $0x2FFFF;
	_ =	strace $0x9FFFFFFF  }
0xc5: {  	(tm) =	ssettm $0x7FFFFFFF  }
tec
execute0_lowered:
.L_overlay_start_1:
0x0: {  	(tag) =	ssettag $0x1  }
0x1: {  	v0 =	vimm.s32 $0x1780  }
0x2: {  	vm14 =	vcmask $0x300;
	vm13 =	vcmask $0x704;
	vm12 =	vcmask $0xB08  }
0x3: {  	vm11 =	vcmask $0xF0C;
	vm10 =	vcmask $0x1310;
	vm9 =	vcmask $0x1714  }
0x4: {  	vm8 =	vcmask $0x1B18;
	vm7 =	vcmask $0x1F1C;
	vm6 =	vcmask $0x2320  }
0x5: {  	vm5 =	vcmask $0x2724;
	vm4 =	vcmask $0x2B28;
	vm3 =	vcmask $0x2F2C  }
0x6: {  	vm2 =	vcmask $0x3330;
	vm0 =	vcmask $0x3734;
	vm1 =	vcmask $0x3B38  }
0x7: {  	v2 =	vlaneseq.u32;
	v4 =	vimm.s32 $0x3F80;
	v5 =	vimm.s32 $0x6780  }
0x8: {  	v6 =	vimm.s32 $0x8F80;
	v0 =	vsel vm14, $0x0, v0;
	v4 =	vsel vm14, $0x2800, v4  }
0x9: {  	v5 =	vsel vm14, $0x5000, v5;
	v6 =	vsel vm14, $0x7800, v6;
	v0 =	vsel vm13, $0x80, v0  }
0xa: {  	v4 =	vsel vm13, $0x2880, v4;
	v5 =	vsel vm13, $0x5080, v5;
	v6 =	vsel vm13, $0x7880, v6  }
0xb: {  	v0 =	vsel vm12, $0x100, v0;
	v4 =	vsel vm12, $0x2900, v4;
	v5 =	vsel vm12, $0x5100, v5  }
0xc: {  	v6 =	vsel vm12, $0x7900, v6;
	v0 =	vsel vm11, $0x180, v0;
	v4 =	vsel vm11, $0x2980, v4  }
0xd: {  	v5 =	vsel vm11, $0x5180, v5;
	v6 =	vsel vm11, $0x7980, v6;
	v0 =	vsel vm10, $0x200, v0  }
0xe: {  	v4 =	vsel vm10, $0x2A00, v4;
	v5 =	vsel vm10, $0x5200, v5;
	v6 =	vsel vm10, $0x7A00, v6  }
0xf: {  	v0 =	vsel vm9, $0x280, v0;
	v4 =	vsel vm9, $0x2A80, v4;
	v5 =	vsel vm9, $0x5280, v5  }
0x10: {  	v6 =	vsel vm9, $0x7A80, v6;
	v0 =	vsel vm8, $0x300, v0;
	v4 =	vsel vm8, $0x2B00, v4  }
0x11: {  	s3 =	rddreg [dreg:$0x1];
	v5 =	vsel vm8, $0x5300, v5;
	v6 =	vsel vm8, $0x7B00, v6;
	v0 =	vsel vm7, $0x380, v0  }
0x12: {  	s1 =	srdreg.scid;
	s5 =	rddreg [dreg:$0x2];
	v4 =	vsel vm7, $0x2B80, v4;
	v5 =	vsel vm7, $0x5380, v5;
	v6 =	vsel vm7, $0x7B80, v6  }
0x13: {  	s0 =	stileid.u32;
	s4 =	rddreg [dreg:$0x3];
	v0 =	vsel vm6, $0x1400, v0;
	v4 =	vsel vm6, $0x3C00, v4;
	v5 =	vsel vm6, $0x6400, v5  }
0x14: {  	s6 =	simm.s32 $0x0;
	s7 =	sand.u32 $0x1, s1;
	s31 =	sshll.u32 s0, $0x1;
	v6 =	vsel vm6, $0x8C00, v6;
	v0 =	vsel vm5, $0x1480, v0;
	v4 =	vsel vm5, $0x3C80, v4  }
0x15: {  	s10 =	simm.s32 $0x7A1400;
	s11 =	simm.s32 $0x9100;
	s8 =	sor.u32 s7, s31;
	v5 =	vsel vm5, $0x6480, v5;
	v6 =	vsel vm5, $0x8C80, v6;
	v0 =	vsel vm4, $0x1500, v0  }
0x16: {  	s12 =	simm.s32 $0x4;
	s13 =	simm.s32 $0x1;
	s1 =	smul.u32 $0xF5, s8;
	v4 =	vsel vm4, $0x3D00, v4;
	v5 =	vsel vm4, $0x6500, v5;
	v6 =	vsel vm4, $0x8D00, v6  }
0x17: {  	s14 =	simm.s32 $0x1D180;
	s15 =	simm.s32 $0x1D100;
	s16 =	simm.s32 $0x3;
	v0 =	vsel vm3, $0x1580, v0;
	v4 =	vsel vm3, $0x3D80, v4;
	v5 =	vsel vm3, $0x6580, v5  }
.Ltmp0:
0x18: {  	s17 =	simm.s32 $0x2;
	s7 =	ssub.s32 $0x2, s7;
	v6 =	vsel vm3, $0x8D80, v6;
	v1 =	vsel vm2, $0x1600, v0;
	v0 =	vmov s1;
	(pc) =	sbr.rel .LBB2_1-.Ltmp0, $4  }
0x19: {  	s8 =	smul.u32 $0x7A80, s8;
	s9 =	sshrl.u32 s7, $0x1;
	s2 =	sadd.s32 $0xF5, s1;
	v4 =	vsel vm2, $0x3E00, v4;
	v5 =	vsel vm2, $0x6600, v5;
	v6 =	vsel vm2, $0x8E00, v6  }
0x1a: {  	s18 =	simm.s32 $0x13100;
	s19 =	simm.s32 $0x0;
	s9 =	ssub.s32 s7, s9;
	v3 =	vsel vm0, $0x1680, v1;
	v1 =	vmov s2;
	v4 =	vsel vm0, $0x3E80, v4  }
0x1b: {  	[smem:$0x7FF] =	sst s6;
	s7 =	sadd.s32 s3, s8;
	s8 =	smax.u32 s9, $0x1;
	v5 =	vsel vm0, $0x6680, v5;
	v6 =	vsel vm0, $0x8E80, v6;
	v3 =	vsel vm1, $0x1700, v3  }
0x1c: {  	s9 =	simm.s32 $0x1400;
	s2 =	rddreg [dreg:$0x0];
	_ =	strace $0x80000047;
	v4 =	vsel vm1, $0x3F00, v4;
	v5 =	vsel vm1, $0x6700, v5;
	v6 =	vsel vm1, $0x8F00, v6  }
.LBB2_38:
0x1d: {  	s19 =	sadd.s32 $0x1, s19  }
0x1e: {  	p0 =	sne.s32 s19, s8  }
.Ltmp1:
0x1f: {  	_ = 	snop;
	(pc) =	sbr.rel @!p0 .LBB2_39-.Ltmp1, $1  }
0x20: {  	_ =	sdelay $0x3  }
.LBB2_1:
0x21: {  	[tilespmem:s11], [sflag:$0x1] =	stream.strided.gather [hbm4b:s7+s9], $0xA000, s10, s9, $0x38;
	[tilespmem:$0x1F200] =	vst v63  }
0x22: {  	s20 =	simm.s32 $0x0;
	s22 =	simm.s32 $0x0;
	s21 =	simm.s32 $0x0  }
.LBB2_2:
0x23: {  	s23 =	sshll.u32 s21, $0x9  }
0x24: {  	s24 =	simm.s32 $0x0;
	s23 =	sadd.s32 s2, s23  }
0x25: {  	[tilespmem:s24], [sflag:$0x4] =	stream.linear.gather [hbm4b:s23+s24], $0x1000, $0x38;
	[tilespmem:$0x1F200] =	vst v63  }
0x26: {  	_ =	swait.ge [sflag:s12], $0x1000  }
0x27: {  	[sflag:s12] =	ssyncset.done $0x0  }
0x28: {  	s31 =	simm.s32 $0x0;
	[sflag:s12] =	ssyncadd.s32 $0xFFFFF000  }
0x29: {  	v7 =	vld [tilespmem:s31+$0x0];
	_ =	sdelay $0x4  }
0x2a: {  	v8 =	vshrl.u32 v7, $0x7  }
0x2b: {  	vm0 =	vge.u32 v8, v0;
	vm1 =	vlt.u32 v8, v1  }
0x2c: {  	vm0 =	vmand vm0, vm1  }
0x2d: {  	v8 =	vmpcnt.ones.xlane vm0;
	_ =	sdelay $0x1  }
0x2e: {  	v8 =	vxor.u32 $0x80000000, v8  }
0x2f: {  	(xrf0) =	vmax.scan.msk.u32 $0xffff, v8;
	_ =	sdelay $0x2  }
0x30: {  	v8 =	vor.u32 s20, v2;
	_ =	sdelay $0x2  }
0x31: {  	[tilespmem:s22+$0x1000] =	vst.msk vm0, v8;
	v8, _, _ =	vpop (xrf0)  }
0x32: {  	s25 =	simm.s32 $0x10;
	s24 =	simm.s32 $0x80;
	s23 =	smov.u32 s20;
	[tilespmem:s22+$0x5080] =	vst.msk vm0, v7;
	(v2sf) =	vpush v8, $0xF  }
.LBB2_3:
0x33: {  	p0 =	sne.s32 s24, $0x3FC0;
	v7 =	vld [tilespmem:s25+$0x0];
	_ =	sdelay $0x4  }
0x34: {  	v8 =	vshrl.u32 v7, $0x7  }
0x35: {  	vm0 =	vge.u32 v8, v0;
	vm1 =	vlt.u32 v8, v1  }
0x36: {  	vm0 =	vmand vm0, vm1  }
0x37: {  	v8 =	vmpcnt.ones.xlane vm0;
	_ =	sdelay $0x1  }
0x38: {  	v8 =	vxor.u32 $0x80000000, v8  }
0x39: {  	(xrf0) =	vmax.scan.msk.u32 $0xffff, v8;
	_ =	sdelay $0x2  }
.Ltmp2:
0x3a: {  	s25 =	spop (v2sf);
	(pc) =	sbr.rel @p0 .LBB2_3-.Ltmp2, $4  }
0x3b: {  	s23 =	sadd.s32 $0x10, s23;
	s22 =	sadd.s32 s25, s22  }
0x3c: {  	v9 =	vor.u32 s23, v2;
	s22 =	sadd.s32 $0x80000000, s22  }
0x3d: {  	[tilespmem:s22+$0x1000] =	vst.msk vm0, v9;
	v8, _, _ =	vpop (xrf0)  }
0x3e: {  	s25 =	sshra.s32 s24, $0x2;
	s24 =	sadd.s32 $0x40, s24;
	[tilespmem:s22+$0x5080] =	vst.msk vm0, v7;
	(v2sf) =	vpush v8, $0xF  }
0x3f: {  	v7 =	vld [tilespmem:s25+$0x0];
	_ =	sdelay $0x4  }
0x40: {  	v8 =	vshrl.u32 v7, $0x7  }
0x41: {  	vm0 =	vge.u32 v8, v0;
	vm1 =	vlt.u32 v8, v1  }
0x42: {  	vm0 =	vmand vm0, vm1  }
0x43: {  	v8 =	vmpcnt.ones.xlane vm0;
	_ =	sdelay $0x1  }
0x44: {  	v8 =	vxor.u32 $0x80000000, v8  }
0x45: {  	(xrf0) =	vmax.scan.msk.u32 $0xffff, v8;
	_ =	sdelay $0x5  }
0x46: {  	v8, _, _ =	vpop (xrf0)  }
0x47: {  	(v2sf) =	vpush v8, $0xF;
	_ =	sdelay $0xa  }
0x48: {  	s21 =	sadd.s32 $0x1, s21  }
0x49: {  	p0 =	sne.s32 s21, $0x4  }
.Ltmp3:
0x4a: {  	s24 =	spop (v2sf);
	(pc) =	sbr.rel @p0 .LBB2_2-.Ltmp3, $4  }
0x4b: {  	s23 =	sadd.s32 $0x10, s23;
	s22 =	sadd.s32 s24, s22  }
0x4c: {  	s22 =	sadd.s32 $0x80000000, s22;
	v8 =	vor.u32 s23, v2;
	s31 =	spop (v2sf)  }
0x4d: {  	[tilespmem:s22+$0x1000] =	vst.msk vm0, v8;
	s23 =	sadd.s32 s31, s22  }
0x4e: {  	s20 =	sadd.s32 $0x1000, s20;
	[tilespmem:s22+$0x5080] =	vst.msk vm0, v7;
	s22 =	sadd.s32 $0x80000000, s23  }
.Ltmp4:
0x4f: {  	s23 =	sadd.s32 $0xF, s22;
	(pc) =	sbr.rel .LBB2_6-.Ltmp4, $4  }
0x50: {  	s20 =	sshra.s32 s23, $0x1F  }
0x51: {  	s20 =	sshrl.u32 s20, $0x1C  }
0x52: {  	s20 =	sadd.s32 s20, s23  }
0x53: {  	v7 =	vmov s22;
	s21 =	simm.s32 $0x0;
	p0 =	slt.s32 s23, $0x10;
	s20 =	sshra.s32 s20, $0x4  }
.LBB2_22:
0x54: {  	[sflag:s16] =	ssyncadd.s32 $0xFFFFFFC0  }
.LBB2_37:
0x55: {  	p1 =	sne.s32 s21, $0x31  }
.Ltmp5:
0x56: {  	_ = 	snop;
	(pc) =	sbr.rel @!p1 .LBB2_38-.Ltmp5, $1  }
0x57: {  	_ =	sdelay $0x3  }
.LBB2_6:
0x58: {  	p1 =	seq.s32 s21, $0x30  }
.Ltmp6:
0x59: {  	_ = 	snop;
	(pc) =	sbr.rel @p1 .LBB2_9-.Ltmp6, $2  }
0x5a: {  	_ =	sdelay $0x2  }
0x5b: {  	s22 =	smov.u32 s21;
	s21 =	sadd.s32 $0x1, s21  }
0x5c: {  	s23 =	smul.u32 $0x5, s21;
	_ =	sdelay $0x1  }
0x5d: {  	s23 =	sadd.s32 s1, s23  }
0x5e: {  	s24 =	sand.u32 $0x1, s22;
	p1 =	slt.s32 s23, $0x1E80  }
0x5f: {  	s23 =	simm.s32 @!p1 $0x1E80;
	p1 =	seq.s32 s24, $0x1  }
.Ltmp7:
0x60: {  	_ = 	snop;
	(pc) =	sbr.rel @!p1 .LBB2_8-.Ltmp7, $3  }
0x61: {  	_ =	sdelay $0x1  }
0x62: {  	s23 =	sshll.u32 s23, $0x7  }
0x63: {  	s23 =	sadd.s32 s3, s23  }
.Ltmp8:
0x64: {  	(pc) =	sbr.rel @p0 .LBB2_37-.Ltmp8, $4  }
0x65: {  	[tilespmem:s11], [sflag:$0x1] =	stream.strided.gather [hbm4b:s23+s9], $0xA000, s10, s9, $0x38;
	[tilespmem:$0x1F200] =	vst v63  }
0x66: {  	_ =	swait.ge [sflag:s17], $0xA000  }
0x67: {  	[sflag:s17] =	ssyncset.done $0x0  }
0x68: {  	[sflag:s17] =	ssyncadd.s32 $0xFFFF6000  }
0x69: {  	s22 =	smul.u32 $0x5, s22;
	_ =	sdelay $0x1  }
.Ltmp9:
0x6a: {  	s23 =	sadd.s32 s1, s22;
	(pc) =	sbr.rel .LBB2_25-.Ltmp9, $4  }
0x6b: {  	p1 =	slt.s32 s23, $0x1E80  }
0x6c: {  	s23 =	simm.s32 @!p1 $0x1E80  }
0x6d: {  	s24 =	sadd.s32 $0x5, s23  }
0x6e: {  	s22 =	sshll.u32 s23, $0x7;
	v8 =	vmov s23;
	s23 =	simm.s32 $0x0;
	v9 =	vmov s24;
	s24 =	simm.s32 $0x0  }
.LBB2_32:
0x6f: {  	s23 =	sadd.s32 $0x1, s23  }
0x70: {  	p1 =	seq.s32 s23, s20  }
.Ltmp10:
0x71: {  	_ = 	snop;
	(pc) =	sbr.rel @p1 .LBB2_33-.Ltmp10, $1  }
0x72: {  	_ =	sdelay $0x3  }
.LBB2_25:
0x73: {  	s26 =	sshll.u32 s23, $0x4  }
0x74: {  	v10 =	vld [tilespmem:s26+$0x5080];
	_ =	sdelay $0x4  }
0x75: {  	v11 =	vshrl.u32 v10, $0x7  }
0x76: {  	v12 =	vor.u32 s26, v2;
	vm0 =	vge.u32 v11, v8;
	vm1 =	vlt.u32 v11, v9  }
0x77: {  	vm2 =	vlt.s32 v12, v7;
	vm0 =	vmand vm0, vm1  }
0x78: {  	vm0 =	vmand vm2, vm0  }
0x79: {  	v11 =	vmpcnt.ones.xlane vm0;
	_ =	sdelay $0x1  }
0x7a: {  	v11 =	vxor.u32 $0x80000000, v11  }
0x7b: {  	(xrf0) =	vmax.scan.msk.u32 $0xffff, v11;
	_ =	sdelay $0x5  }
0x7c: {  	v11, _, _ =	vpop (xrf0)  }
0x7d: {  	(v2sf) =	vpush v11, $0xF;
	_ =	sdelay $0xe  }
0x7e: {  	s25 =	spop (v2sf)  }
0x7f: {  	s25 =	sxor.u32 $0x80000000, s25  }
0x80: {  	p1 =	slt.s32 s25, $0x1  }
.Ltmp11:
0x81: {  	_ = 	snop;
	(pc) =	sbr.rel @p1 .LBB2_32-.Ltmp11, $1  }
0x82: {  	_ =	sdelay $0x3  }
0x83: {  	v11 =	vld [tilespmem:s26+$0x1000]  }
.Ltmp12:
0x84: {  	_ = 	snop;
	(pc) =	sbr.rel .LBB2_27-.Ltmp12, $3  }
0x85: {  	_ =	sdelay $0x1  }
0x86: {  	[tilespmem:s14+$0x0] =	vst.msk vm0, v10  }
0x87: {  	s26 =	simm.s32 $0x0;
	[tilespmem:s15+$0x0] =	vst.msk vm0, v11  }
.LBB2_30:
0x88: {  	[sflag:s16] =	ssyncadd.s32 $0xFFFFFFC0  }
.LBB2_31:
0x89: {  	s29 =	ssub.s32 s29, s22  }
0x8a: {  	v10 =	vmov s29  }
0x8b: {  	v11 =	vshll.u32 v10, $0x3  }
0x8c: {  	v10 =	vand.u32 $0x7F, v10;
	v11 =	vand.u32 $0xFFFFFC00, v11  }
0x8d: {  	v10 =	vor.u32 v10, v11  }
0x8e: {  	v11 =	vadd.s32 v3, v10;
	_ =	sdelay $0x2  }
0x8f: {  	s30 =	sshra.s32 s24, $0x1F  }
0x90: {  	s29 =	sshrl.u32 s30, $0x19  }
0x91: {  	s29 =	sadd.s32 s29, s24;
	v11 =	vld.idx.msk [tilespmem:v11+s18+$0x0], $0xffff  }
0x92: {  	s29 =	sand.u32 $0xFFFFFF80, s29;
	v12 =	vadd.s32 v4, v10  }
0x93: {  	s31 =	ssub.s32 s24, s29  }
0x94: {  	s29 =	sshll.u32 s31, $0x8  }
0x95: {  	s29 =	sshra.s32 s29, $0x2  }
0x96: {  	[tilespmem:s29+$0x1D200] =	vst v11  }
0x97: {  	v11 =	vld.idx.msk [tilespmem:v12+s18+$0x0], $0xffff  }
0x98: {  	v63 =	vadd.s32 v5, v10;
	_ =	sdelay $0x3  }
0x99: {  	[tilespmem:s29+$0x1D210] =	vst v11  }
0x9a: {  	v11 =	vld.idx.msk [tilespmem:v63+s18+$0x0], $0xffff  }
0x9b: {  	v10 =	vadd.s32 v6, v10;
	_ =	sdelay $0x3  }
0x9c: {  	[tilespmem:s29+$0x1D220] =	vst v11  }
0x9d: {  	s26 =	sadd.s32 $0x1, s26;
	v10 =	vld.idx.msk [tilespmem:v10+s18+$0x0], $0xffff  }
0x9e: {  	p1 =	sne.s32 s26, s25  }
.Ltmp13:
0x9f: {  	_ = 	snop;
	(pc) =	sbr.rel @!p1 .LBB2_32-.Ltmp13, $4  }
0xa0: {  	s28 =	sshll.u32 s28, $0x3  }
0xa1: {  	s28 =	sand.u32 $0x1FFFFFF8, s28  }
0xa2: {  	s28 =	sadd.s32 s5, s28;
	s24 =	sadd.s32 $0x1, s31;
	s30 =	sadd.s32 $0x1D200, s29;
	[tilespmem:s29+$0x1D230] =	vst v10  }
0xa3: {  	[hbm4b:s28+s6] =	stream.linear.scatter [tilespmem:s30], [sflag:$0x3], $0x40, $0x38;
	[tilespmem:$0x1F200] =	vst v63  }
.LBB2_27:
0xa4: {  	v10 =	vld [tilespmem:$0x1D180]  }
0xa5: {  	v11 =	vld [tilespmem:$0x1D100];
	_ =	sdelay $0x2  }
0xa6: {  	v12 =	vmov s26  }
0xa7: {  	vm0 =	veq.s32 v12, v2;
	v10 =	vxor.u32 $0x80000000, v10  }
0xa8: {  	v11 =	vxor.u32 $0x80000000, v11;
	v10 =	vnsel vm0, $0x80000000, v10  }
0xa9: {  	(xrf0) =	vmax.scan.msk.u32 $0xffff, v10;
	v10 =	vnsel vm0, $0x80000000, v11  }
0xaa: {  	(xrf0) =	vmax.scan.msk.u32 $0xffff, v10;
	_ =	sdelay $0x4  }
0xab: {  	v10, _, _ =	vpop (xrf0)  }
0xac: {  	(v2sf) =	vpush v10, $0xF;
	v10, _, _ =	vpop (xrf0)  }
0xad: {  	(v2sf) =	vpush v10, $0xF;
	_ =	sdelay $0x9  }
0xae: {  	p1 =	slt.s32 s24, $0x80  }
.Ltmp14:
0xaf: {  	_ = 	snop;
	(pc) =	sbr.rel @p1 .LBB2_31-.Ltmp14, $3  }
0xb0: {  	_ =	sdelay $0x1  }
0xb1: {  	s29 =	spop (v2sf)  }
0xb2: {  	s30 =	simm.s32 $0x80;
	s28 =	spop (v2sf)  }
0xb3: {  	_ =	swait.ge [sflag:s16], $0x40  }
0xb4: {  	s30 =	sadd.s32 $0xFFFFFFFF, s30;
	[sflag:s16] =	ssyncset.done $0x0  }
.LBB2_29:
0xb5: {  	p1 =	sne.s32 s30, $0x1;
	s30 =	sadd.s32 $0xFFFFFFFF, s30;
	[sflag:s16] =	ssyncadd.s32 $0xFFFFFFC0  }
.Ltmp15:
0xb6: {  	(pc) =	sbr.rel @p1 .LBB2_29-.Ltmp15, $3  }
0xb7: {  	_ =	sdelay $0x1  }
0xb8: {  	_ =	swait.ge [sflag:s16], $0x40  }
0xb9: {  	[sflag:s16] =	ssyncset.done $0x0  }
.Ltmp16:
0xba: {  	_ = 	snop;
	(pc) =	sbr.rel .LBB2_30-.Ltmp16, $1  }
0xbb: {  	_ =	sdelay $0x3  }
.LBB2_8:
0xbc: {  	[tilespmem:s18], [sflag:$0x2] =	stream.strided.gather [hbm4b:s23+s9], $0xA000, s10, s9, $0x38;
	[tilespmem:$0x1F200] =	vst v63  }
.LBB2_9:
.Ltmp17:
0xbd: {  	(pc) =	sbr.rel @p0 .LBB2_37-.Ltmp17, $4  }
0xbe: {  	_ = 	snop  }
0xbf: {  	_ =	swait.ge [sflag:s13], $0xA000  }
0xc0: {  	[sflag:s13] =	ssyncset.done $0x0  }
0xc1: {  	[sflag:s13] =	ssyncadd.s32 $0xFFFF6000  }
0xc2: {  	s22 =	smul.u32 $0x5, s22;
	_ =	sdelay $0x1  }
.Ltmp18:
0xc3: {  	s23 =	sadd.s32 s1, s22;
	(pc) =	sbr.rel .LBB2_11-.Ltmp18, $4  }
0xc4: {  	p1 =	slt.s32 s23, $0x1E80  }
0xc5: {  	s23 =	simm.s32 @!p1 $0x1E80  }
0xc6: {  	s24 =	sadd.s32 $0x5, s23  }
0xc7: {  	s22 =	sshll.u32 s23, $0x7;
	v8 =	vmov s23;
	s23 =	simm.s32 $0x0;
	v9 =	vmov s24;
	s24 =	simm.s32 $0x0  }
.LBB2_18:
0xc8: {  	s23 =	sadd.s32 $0x1, s23  }
0xc9: {  	p1 =	seq.s32 s23, s20  }
.Ltmp19:
0xca: {  	_ = 	snop;
	(pc) =	sbr.rel @p1 .LBB2_19-.Ltmp19, $1  }
0xcb: {  	_ =	sdelay $0x3  }
.LBB2_11:
0xcc: {  	s26 =	sshll.u32 s23, $0x4  }
0xcd: {  	v10 =	vld [tilespmem:s26+$0x5080];
	_ =	sdelay $0x4  }
0xce: {  	v11 =	vshrl.u32 v10, $0x7  }
0xcf: {  	v12 =	vor.u32 s26, v2;
	vm0 =	vge.u32 v11, v8;
	vm1 =	vlt.u32 v11, v9  }
0xd0: {  	vm2 =	vlt.s32 v12, v7;
	vm0 =	vmand vm0, vm1  }
0xd1: {  	vm0 =	vmand vm2, vm0  }
0xd2: {  	v11 =	vmpcnt.ones.xlane vm0;
	_ =	sdelay $0x1  }
0xd3: {  	v11 =	vxor.u32 $0x80000000, v11  }
0xd4: {  	(xrf0) =	vmax.scan.msk.u32 $0xffff, v11;
	_ =	sdelay $0x5  }
0xd5: {  	v11, _, _ =	vpop (xrf0)  }
0xd6: {  	(v2sf) =	vpush v11, $0xF;
	_ =	sdelay $0xe  }
0xd7: {  	s25 =	spop (v2sf)  }
0xd8: {  	s25 =	sxor.u32 $0x80000000, s25  }
0xd9: {  	p1 =	slt.s32 s25, $0x1  }
.Ltmp20:
0xda: {  	_ = 	snop;
	(pc) =	sbr.rel @p1 .LBB2_18-.Ltmp20, $1  }
0xdb: {  	_ =	sdelay $0x3  }
0xdc: {  	v11 =	vld [tilespmem:s26+$0x1000]  }
.Ltmp21:
0xdd: {  	_ = 	snop;
	(pc) =	sbr.rel .LBB2_13-.Ltmp21, $3  }
0xde: {  	_ =	sdelay $0x1  }
0xdf: {  	[tilespmem:s14+$0x0] =	vst.msk vm0, v10  }
0xe0: {  	s26 =	simm.s32 $0x0;
	[tilespmem:s15+$0x0] =	vst.msk vm0, v11  }
.LBB2_17:
0xe1: {  	s29 =	ssub.s32 s29, s22  }
0xe2: {  	v10 =	vmov s29  }
0xe3: {  	v11 =	vshll.u32 v10, $0x3  }
0xe4: {  	v10 =	vand.u32 $0x7F, v10;
	v11 =	vand.u32 $0xFFFFFC00, v11  }
0xe5: {  	v10 =	vor.u32 v10, v11  }
0xe6: {  	v11 =	vadd.s32 v3, v10;
	_ =	sdelay $0x2  }
0xe7: {  	s30 =	sshra.s32 s24, $0x1F  }
0xe8: {  	s29 =	sshrl.u32 s30, $0x19  }
0xe9: {  	s29 =	sadd.s32 s29, s24;
	v11 =	vld.idx.msk [tilespmem:v11+s11+$0x0], $0xffff  }
0xea: {  	s29 =	sand.u32 $0xFFFFFF80, s29;
	v12 =	vadd.s32 v4, v10  }
0xeb: {  	s31 =	ssub.s32 s24, s29  }
0xec: {  	s29 =	sshll.u32 s31, $0x8  }
0xed: {  	s29 =	sshra.s32 s29, $0x2  }
0xee: {  	[tilespmem:s29+$0x1D200] =	vst v11  }
0xef: {  	v11 =	vld.idx.msk [tilespmem:v12+s11+$0x0], $0xffff  }
0xf0: {  	v63 =	vadd.s32 v5, v10;
	_ =	sdelay $0x3  }
0xf1: {  	[tilespmem:s29+$0x1D210] =	vst v11  }
0xf2: {  	v11 =	vld.idx.msk [tilespmem:v63+s11+$0x0], $0xffff  }
0xf3: {  	v10 =	vadd.s32 v6, v10;
	_ =	sdelay $0x3  }
0xf4: {  	[tilespmem:s29+$0x1D220] =	vst v11  }
0xf5: {  	s26 =	sadd.s32 $0x1, s26;
	v10 =	vld.idx.msk [tilespmem:v10+s11+$0x0], $0xffff  }
0xf6: {  	p1 =	sne.s32 s26, s25  }
.Ltmp22:
0xf7: {  	_ = 	snop;
	(pc) =	sbr.rel @!p1 .LBB2_18-.Ltmp22, $4  }
0xf8: {  	s28 =	sshll.u32 s28, $0x3  }
0xf9: {  	s28 =	sand.u32 $0x1FFFFFF8, s28  }
0xfa: {  	s28 =	sadd.s32 s5, s28;
	s24 =	sadd.s32 $0x1, s31;
	s30 =	sadd.s32 $0x1D200, s29;
	[tilespmem:s29+$0x1D230] =	vst v10  }
0xfb: {  	[hbm4b:s28+s6] =	stream.linear.scatter [tilespmem:s30], [sflag:$0x3], $0x40, $0x38;
	[tilespmem:$0x1F200] =	vst v63  }
.LBB2_13:
0xfc: {  	v10 =	vld [tilespmem:$0x1D180]  }
0xfd: {  	v11 =	vld [tilespmem:$0x1D100];
	_ =	sdelay $0x2  }
0xfe: {  	v12 =	vmov s26  }
0xff: {  	vm0 =	veq.s32 v12, v2;
	v10 =	vxor.u32 $0x80000000, v10  }
0x100: {  	v11 =	vxor.u32 $0x80000000, v11;
	v10 =	vnsel vm0, $0x80000000, v10  }
0x101: {  	(xrf0) =	vmax.scan.msk.u32 $0xffff, v10;
	v10 =	vnsel vm0, $0x80000000, v11  }
0x102: {  	(xrf0) =	vmax.scan.msk.u32 $0xffff, v10;
	_ =	sdelay $0x4  }
0x103: {  	v10, _, _ =	vpop (xrf0)  }
0x104: {  	(v2sf) =	vpush v10, $0xF;
	v10, _, _ =	vpop (xrf0)  }
0x105: {  	(v2sf) =	vpush v10, $0xF;
	_ =	sdelay $0x9  }
0x106: {  	p1 =	slt.s32 s24, $0x80  }
.Ltmp23:
0x107: {  	_ = 	snop;
	(pc) =	sbr.rel @p1 .LBB2_17-.Ltmp23, $3  }
0x108: {  	_ =	sdelay $0x1  }
0x109: {  	s29 =	spop (v2sf)  }
0x10a: {  	s30 =	simm.s32 $0x80;
	s28 =	spop (v2sf)  }
0x10b: {  	_ =	swait.ge [sflag:s16], $0x40  }
0x10c: {  	s30 =	sadd.s32 $0xFFFFFFFF, s30;
	[sflag:s16] =	ssyncset.done $0x0  }
.LBB2_15:
0x10d: {  	p1 =	sne.s32 s30, $0x1;
	s30 =	sadd.s32 $0xFFFFFFFF, s30;
	[sflag:s16] =	ssyncadd.s32 $0xFFFFFFC0  }
.Ltmp24:
0x10e: {  	(pc) =	sbr.rel @p1 .LBB2_15-.Ltmp24, $3  }
0x10f: {  	_ =	sdelay $0x1  }
0x110: {  	_ =	swait.ge [sflag:s16], $0x40  }
0x111: {  	[sflag:s16] =	ssyncset.done $0x0  }
.Ltmp25:
0x112: {  	(pc) =	sbr.rel .LBB2_17-.Ltmp25, $2  }
0x113: {  	_ =	sdelay $0x2  }
0x114: {  	[sflag:s16] =	ssyncadd.s32 $0xFFFFFFC0  }
.LBB2_19:
0x115: {  	p1 =	sgt.s32 s24, $0x0  }
.Ltmp26:
0x116: {  	_ = 	snop;
	(pc) =	sbr.rel @!p1 .LBB2_37-.Ltmp26, $1  }
0x117: {  	_ =	sdelay $0x3  }
0x118: {  	p1 =	seq.s32 s24, $0x1  }
.Ltmp27:
0x119: {  	_ = 	snop;
	(pc) =	sbr.rel @p1 .LBB2_22-.Ltmp27, $3  }
0x11a: {  	_ =	sdelay $0x1  }
0x11b: {  	_ =	swait.ge [sflag:s16], $0x40  }
0x11c: {  	s22 =	sadd.s32 $0xFFFFFFFF, s24;
	[sflag:s16] =	ssyncset.done $0x0  }
.LBB2_21:
0x11d: {  	p1 =	seq.s32 s22, $0x1;
	s22 =	sadd.s32 $0xFFFFFFFF, s22;
	[sflag:s16] =	ssyncadd.s32 $0xFFFFFFC0  }
.Ltmp28:
0x11e: {  	(pc) =	sbr.rel @!p1 .LBB2_21-.Ltmp28, $3  }
0x11f: {  	_ =	sdelay $0x1  }
0x120: {  	_ =	swait.ge [sflag:s16], $0x40  }
0x121: {  	[sflag:s16] =	ssyncset.done $0x0  }
.Ltmp29:
0x122: {  	_ = 	snop;
	(pc) =	sbr.rel .LBB2_22-.Ltmp29, $1  }
0x123: {  	_ =	sdelay $0x3  }
.LBB2_33:
0x124: {  	p1 =	sgt.s32 s24, $0x0  }
.Ltmp30:
0x125: {  	_ = 	snop;
	(pc) =	sbr.rel @!p1 .LBB2_37-.Ltmp30, $1  }
0x126: {  	_ =	sdelay $0x3  }
0x127: {  	p1 =	sne.s32 s24, $0x1  }
.Ltmp31:
0x128: {  	_ = 	snop;
	(pc) =	sbr.rel @!p1 .LBB2_36-.Ltmp31, $3  }
0x129: {  	_ =	sdelay $0x1  }
0x12a: {  	_ =	swait.ge [sflag:s16], $0x40  }
0x12b: {  	s22 =	sadd.s32 $0xFFFFFFFF, s24;
	[sflag:s16] =	ssyncset.done $0x0  }
.LBB2_35:
0x12c: {  	p1 =	sne.s32 s22, $0x1;
	s22 =	sadd.s32 $0xFFFFFFFF, s22;
	[sflag:s16] =	ssyncadd.s32 $0xFFFFFFC0  }
.Ltmp32:
0x12d: {  	(pc) =	sbr.rel @p1 .LBB2_35-.Ltmp32, $3  }
0x12e: {  	_ =	sdelay $0x1  }
0x12f: {  	_ =	swait.ge [sflag:s16], $0x40  }
0x130: {  	[sflag:s16] =	ssyncset.done $0x0  }
.LBB2_36:
.Ltmp33:
0x131: {  	(pc) =	sbr.rel .LBB2_37-.Ltmp33, $2  }
0x132: {  	_ =	sdelay $0x2  }
0x133: {  	[sflag:s16] =	ssyncadd.s32 $0xFFFFFFC0  }
.LBB2_39:
0x134: {  	_ =	sfence.sel $0x180000  }
0x135: {  	[bflag:$0x0] =	sbarrier.arrive $0xFFFF  }
0x136: {  	p0 =	sne.s32 s0, $0x0;
	_ =	strace $0x90000047  }
0x137: {  	s0 =	sadd.s32 @!p0 $0x100000, s4;
	[bflag:$0x2] =	sbarrier.arrive $0xFFFF  }
0x138: {  	[sflag:s0] =	ssyncadd.tile.s32 @!p0 $0x1;
	_ =	shalt  }
.Lfunc_end2:
_tile_overlayer_lowered:
.L_overlay_start_2:
0x139: {  	(tag) =	ssettag $0x2  }
0x13a: {  	s0 =	rddreg [dreg:$0x0];
	s2 =	stileid.u32  }
0x13b: {  	s1 =	rddreg [dreg:$0x1];
	p0 =	sne.s32 s2, $0x0  }
0x13c: {  	s3 =	rddreg [dreg:$0x2];
	[bflag:$0x3] =	sbarrier.arrive $0xFFFF;
	s2 =	simm.s32 @!p0 $0x1C04  }
0x13d: {  	[timem:s3], [sflag:s2] =	dma.local @!p0 [hbm:s0], s1  }
0x13e: {  	s0 =	simm.s32 @!p0 $0x4  }
0x13f: {  	_ =	swait.ge @!p0 [sflag:s0], s1  }
0x140: {  	s1 =	ssub.s32 @!p0 $0x0, s1;
	[sflag:s0] =	ssyncset.done @!p0 $0x0  }
0x141: {  	[sflag:s0] =	ssyncadd.s32 @!p0 s1  }
0x142: {  	[bflag:$0x3] =	sbarrier.arrive $0xFFFF  }
0x143: {  	_ =	shalt  }

</sc_bundles>
